<compile_context>
chip_gen: v7x
topology: tpu7x:2x2x1
jax: 0.10.2.dev20260603
libtpu: 0.0.44.dev20260713+nightly
codegen_flags: <defaults>
</compile_context>

<pallas_src>
import jax
import jax.numpy as jnp
from jax import lax
from jax.experimental import pallas as pl
from jax.experimental.pallas import tpu as pltpu
from jax.experimental.pallas import tpu_sc as plsc

B = 16384
D = 128
NSP = 26
DENSE = 256
NC = 2
NS = 16
NW = NC * NS
RPW = B // NW
CH = 64
NCH = RPW // CH
TPW = NSP * NCH
NB = 4
NPLAIN = 3 * NCH


def _sc_emb_body(uids, iids, spt, utab, itab, ttab,
                 u_out, i_out, t_out,
                 idxu, idxi, tidx, gb0, gb1, gb2, gb3, acc,
                 tsem, isem0, isem1,
                 gsem0, gsem1, gsem2, gsem3,
                 ssem0, ssem1, ssem2, ssem3,
                 asem0, asem1, asem2, asem3,
                 asem4, asem5, asem6, asem7):
  c = lax.axis_index("c")
  s = lax.axis_index("s")
  wid = s * NC + c
  base = wid * RPW
  bufs = (gb0, gb1, gb2, gb3)
  gsems = (gsem0, gsem1, gsem2, gsem3)
  ssems = (ssem0, ssem1, ssem2, ssem3)
  asems = (asem0, asem1, asem2, asem3, asem4, asem5, asem6, asem7)

  pltpu.async_copy(spt.at[pl.ds(wid * TPW, TPW)], tidx, tsem)
  pltpu.async_copy(uids.at[pl.ds(wid * NCH, NCH)], idxu, isem0)
  pltpu.async_copy(iids.at[pl.ds(wid * NCH, NCH)], idxi, isem1)
  pltpu.make_async_copy(uids.at[pl.ds(wid * NCH, NCH)], idxu, isem0).wait()
  pltpu.make_async_copy(iids.at[pl.ds(wid * NCH, NCH)], idxi, isem1).wait()
  pltpu.make_async_copy(spt.at[pl.ds(wid * TPW, TPW)], tidx, tsem).wait()

  def a_dst(b):
    return acc.at[pl.ds(b * CH, CH), :]

  for b in range(NCH):
    pltpu.async_copy(ttab.at[tidx.at[b]], a_dst(b), asems[b])

  def g_src(k):
    if k < NCH:
      return utab.at[idxu.at[k]]
    return itab.at[idxi.at[k - NCH]]

  def o_dst(k):
    if k < NCH:
      return u_out.at[pl.ds(base + k * CH, CH), :]
    return i_out.at[pl.ds(base + (k - NCH) * CH, CH), :]

  NUI = 2 * NCH
  for b in range(NB):
    pltpu.async_copy(g_src(b), bufs[b], gsems[b])
  for k0 in range(0, NUI, NB):
    for b in range(NB):
      k = k0 + b
      pltpu.make_async_copy(g_src(k), bufs[b], gsems[b]).wait()
      pltpu.async_copy(bufs[b], o_dst(k), ssems[b])
    for b in range(NB):
      k = k0 + b
      pltpu.make_async_copy(bufs[b], o_dst(k), ssems[b]).wait()
      if k + NB < NUI:
        pltpu.async_copy(g_src(k + NB), bufs[b], gsems[b])

  for b in range(NCH):
    pltpu.make_async_copy(ttab.at[tidx.at[b]], a_dst(b), asems[b]).wait()

  def grp(g, _):
    for b in range(NCH):
      pltpu.async_copy(ttab.at[tidx.at[g * NCH + b]], a_dst(b), asems[b],
                       add=True)
    return 0

  lax.fori_loop(1, NSP, grp, 0)

  def drn(g, _):
    for b in range(NCH):
      pltpu.make_async_copy(ttab.at[tidx.at[b]], a_dst(b), asems[b]).wait()
    return 0

  lax.fori_loop(1, NSP, drn, 0)

  pltpu.sync_copy(acc, t_out.at[pl.ds(base, RPW), :])


@jax.jit
def _sc_emb(uids, iids, spt, utab, itab, ttab):
  mesh = plsc.VectorSubcoreMesh(core_axis_name="c", subcore_axis_name="s")
  f = pl.kernel(
      _sc_emb_body,
      out_type=(
          jax.ShapeDtypeStruct((B, D), jnp.float32),
          jax.ShapeDtypeStruct((B, D), jnp.float32),
          jax.ShapeDtypeStruct((B, D), jnp.float32),
      ),
      mesh=mesh,
      compiler_params=pltpu.CompilerParams(needs_layout_passes=False),
      scratch_types=(
          pltpu.VMEM((NCH, CH), jnp.int32),
          pltpu.VMEM((NCH, CH), jnp.int32),
          pltpu.VMEM((TPW, CH), jnp.int32),
          pltpu.VMEM((CH, D), jnp.float32),
          pltpu.VMEM((CH, D), jnp.float32),
          pltpu.VMEM((CH, D), jnp.float32),
          pltpu.VMEM((CH, D), jnp.float32),
          pltpu.VMEM((RPW, D), jnp.float32),
      ) + (pltpu.SemaphoreType.DMA,) * 19,
  )
  return f(uids, iids, spt, utab, itab, ttab)


def _mlp_body(dense, u, i, t, bw1, bb1, bw2, bb2,
              t1u, t1i, t1t, t1d, tb1, tw2, tb2, out):
  f32 = jnp.float32
  h = jnp.maximum(jnp.dot(dense[...], bw1[...], preferred_element_type=f32)
                  + bb1[...], 0.0)
  d = jnp.dot(h, bw2[...], preferred_element_type=f32) + bb2[...]
  z = (jnp.dot(d, t1d[...], preferred_element_type=f32)
       + jnp.dot(u[...], t1u[...], preferred_element_type=f32)
       + jnp.dot(i[...], t1i[...], preferred_element_type=f32)
       + jnp.dot(t[...], t1t[...], preferred_element_type=f32)
       + tb1[...])
  z = jnp.maximum(z, 0.0)
  raw = jnp.dot(z, tw2[...], preferred_element_type=f32) + tb2[...]
  out[...] = jax.nn.sigmoid(raw)


BM = 4096


def _row_spec(w):
  return pl.BlockSpec((BM, w), lambda m: (m, 0))


def _full(a):
  return pl.BlockSpec(a.shape, lambda m: tuple(0 for _ in a.shape))


@jax.jit
def _mlp(dense, u, i, t, bw1, bb1, bw2, bb2,
         t1u, t1i, t1t, t1d, tb1, tw2, tb2):
  return pl.pallas_call(
      _mlp_body,
      grid=(B // BM,),
      in_specs=[
          _row_spec(DENSE), _row_spec(D), _row_spec(D), _row_spec(D),
          _full(bw1), _full(bb1), _full(bw2), _full(bb2),
          _full(t1u), _full(t1i), _full(t1t), _full(t1d), _full(tb1),
          _full(tw2), _full(tb2),
      ],
      out_specs=pl.BlockSpec((BM, 1), lambda m: (m, 0)),
      out_shape=jax.ShapeDtypeStruct((B, 1), jnp.float32),
  )(dense, u, i, t, bw1, bb1, bw2, bb2,
    t1u, t1i, t1t, t1d, tb1, tw2, tb2)


def kernel(user_ids, item_ids, dense_features, sparse_features,
           user_table, item_table, tag_table,
           bw1, bb1, bw2, bb2, tw1, tb1, tw2, tb2):
  uids = user_ids.astype(jnp.int32).reshape(B // CH, CH)
  iids = item_ids.astype(jnp.int32).reshape(B // CH, CH)
  spt = (sparse_features.astype(jnp.int32).T
         .reshape(NSP, NW, NCH, CH)
         .transpose(1, 0, 2, 3)
         .reshape(NW * TPW, CH))
  u_emb, i_emb, t_emb = _sc_emb(uids, iids, spt,
                                user_table, item_table, tag_table)
  t1u = tw1[0:D]
  t1i = tw1[D:2 * D]
  t1t = tw1[2 * D:3 * D]
  t1d = tw1[3 * D:4 * D]
  return _mlp(dense_features, u_emb, i_emb, t_emb,
              bw1, bb1.reshape(1, -1), bw2, bb2.reshape(1, -1),
              t1u, t1i, t1t, t1d, tb1.reshape(1, -1), tw2,
              tb2.reshape(1, -1))

# --- scband reference (transcript-rebuilt; emitter-appended) ---
"""Pipeline reference for scband-dlrmx-l-7705171329792 (READ-ONLY COPY).

The authoritative reference and input builder live on the scoring server;
editing this copy changes nothing except your own understanding.
"""

import jax, jax.numpy as jnp
import numpy as np

B = 16384
D = 128
DENSE = 256
USER_V = 1000000
ITEM_V = 1000000
TAG_V = 100000
N_SPARSE = 26


def _mlp(x, w1, b1, w2, b2):
    h = jnp.maximum(x @ w1 + b1, 0.0)
    return h @ w2 + b2


def setup_inputs(seed: int = 0) -> dict:
    key = jax.random.key(seed)
    ks = jax.random.split(key, 16)
    user_ids = jax.random.randint(ks[0], (B,), 0, USER_V)
    item_ids = jax.random.randint(ks[1], (B,), 0, ITEM_V)
    sparse_features = jax.random.randint(ks[2], (B, N_SPARSE), 0, TAG_V)
    dense_features = jax.random.normal(ks[3], (B, DENSE), dtype=jnp.float32)
    user_table = jax.random.normal(ks[4], (USER_V, D), dtype=jnp.float32) * 0.01
    item_table = jax.random.normal(ks[5], (ITEM_V, D), dtype=jnp.float32) * 0.01
    tag_table = jax.random.normal(ks[6], (TAG_V, D), dtype=jnp.float32) * 0.01
    # bot MLP: DENSE -> 2*D -> D
    bw1 = jax.random.normal(ks[7], (DENSE, 2 * D), dtype=jnp.float32) * (1.0 / np.sqrt(DENSE))
    bb1 = jnp.zeros((2 * D,), dtype=jnp.float32)
    bw2 = jax.random.normal(ks[8], (2 * D, D), dtype=jnp.float32) * (1.0 / np.sqrt(2 * D))
    bb2 = jnp.zeros((D,), dtype=jnp.float32)
    # top MLP: 4*D -> D -> 1
    tw1 = jax.random.normal(ks[9], (4 * D, D), dtype=jnp.float32) * (1.0 / np.sqrt(4 * D))
    tb1 = jnp.zeros((D,), dtype=jnp.float32)
    tw2 = jax.random.normal(ks[10], (D, 1), dtype=jnp.float32) * (1.0 / np.sqrt(D))
    tb2 = jnp.zeros((1,), dtype=jnp.float32)
    return {
        'user_ids': user_ids, 'item_ids': item_ids,
        'dense_features': dense_features, 'sparse_features': sparse_features,
        'user_table': user_table, 'item_table': item_table, 'tag_table': tag_table,
        'bw1': bw1, 'bb1': bb1, 'bw2': bw2, 'bb2': bb2,
        'tw1': tw1, 'tb1': tb1, 'tw2': tw2, 'tb2': tb2,
    }


def reference(user_ids, item_ids, dense_features, sparse_features,
              user_table, item_table, tag_table,
              bw1, bb1, bw2, bb2, tw1, tb1, tw2, tb2):
    user_emb = jnp.take(user_table, user_ids, axis=0)
    item_emb = jnp.take(item_table, item_ids, axis=0)
    # user_ids/item_ids are 1-D, so no inner-sum branch
    tag_lookups = jnp.stack([jnp.take(tag_table, sparse_features[:, i], axis=0)
                             for i in range(N_SPARSE)], axis=1)
    tag_emb = jnp.sum(tag_lookups, axis=1)
    dense_emb = _mlp(dense_features, bw1, bb1, bw2, bb2)
    concat = jnp.concatenate([user_emb, item_emb, tag_emb, dense_emb], axis=-1)
    raw = _mlp(concat, tw1, tb1, tw2, tb2)
    return jax.nn.sigmoid(raw)

if __name__ == "__main__":
    import jax
    _d = setup_inputs()
    print(jax.jit(kernel)(*tuple(_d.values())))

</pallas_src>

<mosaic_0001>
#map = affine_map<(d0, d1) -> (0, 0)>
module attributes {stable_mosaic.version = 14 : i64} {
  func.func @_sc_emb_body(%arg0: i32, %arg1: i32, %arg2: memref<256x64xi32, #tpu.memory_space<hbm>>, %arg3: memref<256x64xi32, #tpu.memory_space<hbm>>, %arg4: memref<6656x64xi32, #tpu.memory_space<hbm>>, %arg5: memref<1000000x128xf32, #tpu.memory_space<hbm>>, %arg6: memref<1000000x128xf32, #tpu.memory_space<hbm>>, %arg7: memref<100000x128xf32, #tpu.memory_space<hbm>>, %arg8: memref<16384x128xf32, #tpu.memory_space<hbm>>, %arg9: memref<16384x128xf32, #tpu.memory_space<hbm>>, %arg10: memref<16384x128xf32, #tpu.memory_space<hbm>>, %arg11: memref<8x64xi32, #tpu.memory_space<vmem>>, %arg12: memref<8x64xi32, #tpu.memory_space<vmem>>, %arg13: memref<208x64xi32, #tpu.memory_space<vmem>>, %arg14: memref<64x128xf32, #tpu.memory_space<vmem>>, %arg15: memref<64x128xf32, #tpu.memory_space<vmem>>, %arg16: memref<64x128xf32, #tpu.memory_space<vmem>>, %arg17: memref<64x128xf32, #tpu.memory_space<vmem>>, %arg18: memref<512x128xf32, #tpu.memory_space<vmem>>, %arg19: memref<!tpu.dma_semaphore, #tpu.memory_space<semaphore_mem>>, %arg20: memref<!tpu.dma_semaphore, #tpu.memory_space<semaphore_mem>>, %arg21: memref<!tpu.dma_semaphore, #tpu.memory_space<semaphore_mem>>, %arg22: memref<!tpu.dma_semaphore, #tpu.memory_space<semaphore_mem>>, %arg23: memref<!tpu.dma_semaphore, #tpu.memory_space<semaphore_mem>>, %arg24: memref<!tpu.dma_semaphore, #tpu.memory_space<semaphore_mem>>, %arg25: memref<!tpu.dma_semaphore, #tpu.memory_space<semaphore_mem>>, %arg26: memref<!tpu.dma_semaphore, #tpu.memory_space<semaphore_mem>>, %arg27: memref<!tpu.dma_semaphore, #tpu.memory_space<semaphore_mem>>, %arg28: memref<!tpu.dma_semaphore, #tpu.memory_space<semaphore_mem>>, %arg29: memref<!tpu.dma_semaphore, #tpu.memory_space<semaphore_mem>>, %arg30: memref<!tpu.dma_semaphore, #tpu.memory_space<semaphore_mem>>, %arg31: memref<!tpu.dma_semaphore, #tpu.memory_space<semaphore_mem>>, %arg32: memref<!tpu.dma_semaphore, #tpu.memory_space<semaphore_mem>>, %arg33: memref<!tpu.dma_semaphore, #tpu.memory_space<semaphore_mem>>, %arg34: memref<!tpu.dma_semaphore, #tpu.memory_space<semaphore_mem>>, %arg35: memref<!tpu.dma_semaphore, #tpu.memory_space<semaphore_mem>>, %arg36: memref<!tpu.dma_semaphore, #tpu.memory_space<semaphore_mem>>, %arg37: memref<!tpu.dma_semaphore, #tpu.memory_space<semaphore_mem>>) attributes {dimension_semantics = [#tpu.dimension_semantics<core_parallel>, #tpu.dimension_semantics<subcore_parallel>], iteration_bounds = array<i64: 2, 16>, scalar_prefetch = 0 : i64, scratch_operands = 27 : i64, tpu.core_type = #tpu.core_type<sc_vector_subcore>, window_params = [{transform_indices = #map}, {transform_indices = #map}, {transform_indices = #map}, {transform_indices = #map}, {transform_indices = #map}, {transform_indices = #map}, {transform_indices = #map}, {transform_indices = #map}, {transform_indices = #map}]} {
    %mul3A = arith.constant 2 : i32
    %mul3A_0 = arith.muli %arg1, %mul3A : i32
    %add3A = arith.addi %mul3A_0, %arg0 : i32
    %mul3A_1 = arith.constant 512 : i32
    %mul3A_2 = arith.muli %add3A, %mul3A_1 : i32
    %mul3A_3 = arith.constant 208 : i32
    %mul3A_4 = arith.muli %add3A, %mul3A_3 : i32
    %dma_start3A = arith.constant 0 : i32
    %dma_start3A_5 = tpu.memref_slice %arg4[%mul3A_4, %dma_start3A] : memref<6656x64xi32, #tpu.memory_space<hbm>> -> memref<208x64xi32, #tpu.memory_space<hbm>>
    %dma_start3A_6 = arith.constant 0 : i32
    %dma_start3A_7 = tpu.memref_slice %arg4[%mul3A_4, %dma_start3A_6] : memref<6656x64xi32, #tpu.memory_space<hbm>> -> memref<208x64xi32, #tpu.memory_space<hbm>>
    tpu.enqueue_dma source(%dma_start3A_7 : memref<208x64xi32, #tpu.memory_space<hbm>>) target(%arg13 : memref<208x64xi32, #tpu.memory_space<vmem>>) target_semaphore(%arg19 : memref<!tpu.dma_semaphore, #tpu.memory_space<semaphore_mem>>)
    %mul3A_8 = arith.constant 8 : i32
    %mul3A_9 = arith.muli %add3A, %mul3A_8 : i32
    %dma_start3A_10 = arith.constant 0 : i32
    %dma_start3A_11 = tpu.memref_slice %arg2[%mul3A_9, %dma_start3A_10] : memref<256x64xi32, #tpu.memory_space<hbm>> -> memref<8x64xi32, #tpu.memory_space<hbm>>
    %dma_start3A_12 = arith.constant 0 : i32
    %dma_start3A_13 = tpu.memref_slice %arg2[%mul3A_9, %dma_start3A_12] : memref<256x64xi32, #tpu.memory_space<hbm>> -> memref<8x64xi32, #tpu.memory_space<hbm>>
    tpu.enqueue_dma source(%dma_start3A_13 : memref<8x64xi32, #tpu.memory_space<hbm>>) target(%arg11 : memref<8x64xi32, #tpu.memory_space<vmem>>) target_semaphore(%arg20 : memref<!tpu.dma_semaphore, #tpu.memory_space<semaphore_mem>>)
    %mul3A_14 = arith.constant 8 : i32
    %mul3A_15 = arith.muli %add3A, %mul3A_14 : i32
    %dma_start3A_16 = arith.constant 0 : i32
    %dma_start3A_17 = tpu.memref_slice %arg3[%mul3A_15, %dma_start3A_16] : memref<256x64xi32, #tpu.memory_space<hbm>> -> memref<8x64xi32, #tpu.memory_space<hbm>>
    %dma_start3A_18 = arith.constant 0 : i32
    %dma_start3A_19 = tpu.memref_slice %arg3[%mul3A_15, %dma_start3A_18] : memref<256x64xi32, #tpu.memory_space<hbm>> -> memref<8x64xi32, #tpu.memory_space<hbm>>
    tpu.enqueue_dma source(%dma_start3A_19 : memref<8x64xi32, #tpu.memory_space<hbm>>) target(%arg12 : memref<8x64xi32, #tpu.memory_space<vmem>>) target_semaphore(%arg21 : memref<!tpu.dma_semaphore, #tpu.memory_space<semaphore_mem>>)
    %mul3A_20 = arith.constant 8 : i32
    %mul3A_21 = arith.muli %add3A, %mul3A_20 : i32
    %dma_wait3A = arith.constant 0 : i32
    %dma_wait3A_22 = tpu.memref_slice %arg2[%mul3A_21, %dma_wait3A] : memref<256x64xi32, #tpu.memory_space<hbm>> -> memref<8x64xi32, #tpu.memory_space<hbm>>
    %dma_wait3A_23 = arith.constant 0 : i32
    %dma_wait3A_24 = tpu.memref_slice %arg2[%mul3A_21, %dma_wait3A_23] : memref<256x64xi32, #tpu.memory_space<hbm>> -> memref<8x64xi32, #tpu.memory_space<hbm>>
    tpu.wait_dma2 semaphore(%arg20 : memref<!tpu.dma_semaphore, #tpu.memory_space<semaphore_mem>>) src(%dma_wait3A_24 : memref<8x64xi32, #tpu.memory_space<hbm>>) dst(%arg11 : memref<8x64xi32, #tpu.memory_space<vmem>>)
    %mul3A_25 = arith.constant 8 : i32
    %mul3A_26 = arith.muli %add3A, %mul3A_25 : i32
    %dma_wait3A_27 = arith.constant 0 : i32
    %dma_wait3A_28 = tpu.memref_slice %arg3[%mul3A_26, %dma_wait3A_27] : memref<256x64xi32, #tpu.memory_space<hbm>> -> memref<8x64xi32, #tpu.memory_space<hbm>>
    %dma_wait3A_29 = arith.constant 0 : i32
    %dma_wait3A_30 = tpu.memref_slice %arg3[%mul3A_26, %dma_wait3A_29] : memref<256x64xi32, #tpu.memory_space<hbm>> -> memref<8x64xi32, #tpu.memory_space<hbm>>
    tpu.wait_dma2 semaphore(%arg21 : memref<!tpu.dma_semaphore, #tpu.memory_space<semaphore_mem>>) src(%dma_wait3A_30 : memref<8x64xi32, #tpu.memory_space<hbm>>) dst(%arg12 : memref<8x64xi32, #tpu.memory_space<vmem>>)
    %mul3A_31 = arith.constant 208 : i32
    %mul3A_32 = arith.muli %add3A, %mul3A_31 : i32
    %dma_wait3A_33 = arith.constant 0 : i32
    %dma_wait3A_34 = tpu.memref_slice %arg4[%mul3A_32, %dma_wait3A_33] : memref<6656x64xi32, #tpu.memory_space<hbm>> -> memref<208x64xi32, #tpu.memory_space<hbm>>
    %dma_wait3A_35 = arith.constant 0 : i32
    %dma_wait3A_36 = tpu.memref_slice %arg4[%mul3A_32, %dma_wait3A_35] : memref<6656x64xi32, #tpu.memory_space<hbm>> -> memref<208x64xi32, #tpu.memory_space<hbm>>
    tpu.wait_dma2 semaphore(%arg19 : memref<!tpu.dma_semaphore, #tpu.memory_space<semaphore_mem>>) src(%dma_wait3A_36 : memref<208x64xi32, #tpu.memory_space<hbm>>) dst(%arg13 : memref<208x64xi32, #tpu.memory_space<vmem>>)
    %dma_start3A_37 = arith.constant 0 : i32
    %dma_start3A_38 = arith.constant 0 : i32
    %dma_start3A_39 = arith.constant 0 : i32
    %dma_start3A_40 = tpu.memref_slice %arg18[%dma_start3A_38, %dma_start3A_39] : memref<512x128xf32, #tpu.memory_space<vmem>> -> memref<64x128xf32, #tpu.memory_space<vmem>>
    %dma_start3A_41 = arith.constant 0 : i32
    %dma_start3A_42 = tpu.memref_slice %arg13[%dma_start3A_37, %dma_start3A_41] : memref<208x64xi32, #tpu.memory_space<vmem>> -> memref<1x64xi32, #tpu.memory_space<vmem>>
    %dma_start3A_43 = tpu.memref_squeeze %dma_start3A_42 : memref<1x64xi32, #tpu.memory_space<vmem>> -> memref<64xi32, #tpu.memory_space<vmem>>
    %dma_start3A_44 = arith.constant 0 : i32
    %dma_start3A_45 = arith.constant 0 : i32
    %dma_start3A_46 = tpu.memref_slice %arg7[%dma_start3A_44, %dma_start3A_45] : memref<100000x128xf32, #tpu.memory_space<hbm>> -> memref<100000x128xf32, #tpu.memory_space<hbm>>
    tpu.enqueue_indirect_dma source(%dma_start3A_46 : memref<100000x128xf32, #tpu.memory_space<hbm>>) target(%dma_start3A_40 : memref<64x128xf32, #tpu.memory_space<vmem>>) offsets(%dma_start3A_43 : memref<64xi32, #tpu.memory_space<vmem>>) semaphore(%arg30 : memref<!tpu.dma_semaphore, #tpu.memory_space<semaphore_mem>>)
    %dma_start3A_47 = arith.constant 1 : i32
    %dma_start3A_48 = arith.constant 64 : i32
    %dma_start3A_49 = arith.constant 0 : i32
    %dma_start3A_50 = tpu.memref_slice %arg18[%dma_start3A_48, %dma_start3A_49] : memref<512x128xf32, #tpu.memory_space<vmem>> -> memref<64x128xf32, #tpu.memory_space<vmem>>
    %dma_start3A_51 = arith.constant 0 : i32
    %dma_start3A_52 = tpu.memref_slice %arg13[%dma_start3A_47, %dma_start3A_51] : memref<208x64xi32, #tpu.memory_space<vmem>> -> memref<1x64xi32, #tpu.memory_space<vmem>>
    %dma_start3A_53 = tpu.memref_squeeze %dma_start3A_52 : memref<1x64xi32, #tpu.memory_space<vmem>> -> memref<64xi32, #tpu.memory_space<vmem>>
    %dma_start3A_54 = arith.constant 0 : i32
    %dma_start3A_55 = arith.constant 0 : i32
    %dma_start3A_56 = tpu.memref_slice %arg7[%dma_start3A_54, %dma_start3A_55] : memref<100000x128xf32, #tpu.memory_space<hbm>> -> memref<100000x128xf32, #tpu.memory_space<hbm>>
    tpu.enqueue_indirect_dma source(%dma_start3A_56 : memref<100000x128xf32, #tpu.memory_space<hbm>>) target(%dma_start3A_50 : memref<64x128xf32, #tpu.memory_space<vmem>>) offsets(%dma_start3A_53 : memref<64xi32, #tpu.memory_space<vmem>>) semaphore(%arg31 : memref<!tpu.dma_semaphore, #tpu.memory_space<semaphore_mem>>)
    %dma_start3A_57 = arith.constant 2 : i32
    %dma_start3A_58 = arith.constant 128 : i32
    %dma_start3A_59 = arith.constant 0 : i32
    %dma_start3A_60 = tpu.memref_slice %arg18[%dma_start3A_58, %dma_start3A_59] : memref<512x128xf32, #tpu.memory_space<vmem>> -> memref<64x128xf32, #tpu.memory_space<vmem>>
    %dma_start3A_61 = arith.constant 0 : i32
    %dma_start3A_62 = tpu.memref_slice %arg13[%dma_start3A_57, %dma_start3A_61] : memref<208x64xi32, #tpu.memory_space<vmem>> -> memref<1x64xi32, #tpu.memory_space<vmem>>
    %dma_start3A_63 = tpu.memref_squeeze %dma_start3A_62 : memref<1x64xi32, #tpu.memory_space<vmem>> -> memref<64xi32, #tpu.memory_space<vmem>>
    %dma_start3A_64 = arith.constant 0 : i32
    %dma_start3A_65 = arith.constant 0 : i32
    %dma_start3A_66 = tpu.memref_slice %arg7[%dma_start3A_64, %dma_start3A_65] : memref<100000x128xf32, #tpu.memory_space<hbm>> -> memref<100000x128xf32, #tpu.memory_space<hbm>>
    tpu.enqueue_indirect_dma source(%dma_start3A_66 : memref<100000x128xf32, #tpu.memory_space<hbm>>) target(%dma_start3A_60 : memref<64x128xf32, #tpu.memory_space<vmem>>) offsets(%dma_start3A_63 : memref<64xi32, #tpu.memory_space<vmem>>) semaphore(%arg32 : memref<!tpu.dma_semaphore, #tpu.memory_space<semaphore_mem>>)
    %dma_start3A_67 = arith.constant 3 : i32
    %dma_start3A_68 = arith.constant 192 : i32
    %dma_start3A_69 = arith.constant 0 : i32
    %dma_start3A_70 = tpu.memref_slice %arg18[%dma_start3A_68, %dma_start3A_69] : memref<512x128xf32, #tpu.memory_space<vmem>> -> memref<64x128xf32, #tpu.memory_space<vmem>>
    %dma_start3A_71 = arith.constant 0 : i32
    %dma_start3A_72 = tpu.memref_slice %arg13[%dma_start3A_67, %dma_start3A_71] : memref<208x64xi32, #tpu.memory_space<vmem>> -> memref<1x64xi32, #tpu.memory_space<vmem>>
    %dma_start3A_73 = tpu.memref_squeeze %dma_start3A_72 : memref<1x64xi32, #tpu.memory_space<vmem>> -> memref<64xi32, #tpu.memory_space<vmem>>
    %dma_start3A_74 = arith.constant 0 : i32
    %dma_start3A_75 = arith.constant 0 : i32
    %dma_start3A_76 = tpu.memref_slice %arg7[%dma_start3A_74, %dma_start3A_75] : memref<100000x128xf32, #tpu.memory_space<hbm>> -> memref<100000x128xf32, #tpu.memory_space<hbm>>
    tpu.enqueue_indirect_dma source(%dma_start3A_76 : memref<100000x128xf32, #tpu.memory_space<hbm>>) target(%dma_start3A_70 : memref<64x128xf32, #tpu.memory_space<vmem>>) offsets(%dma_start3A_73 : memref<64xi32, #tpu.memory_space<vmem>>) semaphore(%arg33 : memref<!tpu.dma_semaphore, #tpu.memory_space<semaphore_mem>>)
    %dma_start3A_77 = arith.constant 4 : i32
    %dma_start3A_78 = arith.constant 256 : i32
    %dma_start3A_79 = arith.constant 0 : i32
    %dma_start3A_80 = tpu.memref_slice %arg18[%dma_start3A_78, %dma_start3A_79] : memref<512x128xf32, #tpu.memory_space<vmem>> -> memref<64x128xf32, #tpu.memory_space<vmem>>
    %dma_start3A_81 = arith.constant 0 : i32
    %dma_start3A_82 = tpu.memref_slice %arg13[%dma_start3A_77, %dma_start3A_81] : memref<208x64xi32, #tpu.memory_space<vmem>> -> memref<1x64xi32, #tpu.memory_space<vmem>>
    %dma_start3A_83 = tpu.memref_squeeze %dma_start3A_82 : memref<1x64xi32, #tpu.memory_space<vmem>> -> memref<64xi32, #tpu.memory_space<vmem>>
    %dma_start3A_84 = arith.constant 0 : i32
    %dma_start3A_85 = arith.constant 0 : i32
    %dma_start3A_86 = tpu.memref_slice %arg7[%dma_start3A_84, %dma_start3A_85] : memref<100000x128xf32, #tpu.memory_space<hbm>> -> memref<100000x128xf32, #tpu.memory_space<hbm>>
    tpu.enqueue_indirect_dma source(%dma_start3A_86 : memref<100000x128xf32, #tpu.memory_space<hbm>>) target(%dma_start3A_80 : memref<64x128xf32, #tpu.memory_space<vmem>>) offsets(%dma_start3A_83 : memref<64xi32, #tpu.memory_space<vmem>>) semaphore(%arg34 : memref<!tpu.dma_semaphore, #tpu.memory_space<semaphore_mem>>)
    %dma_start3A_87 = arith.constant 5 : i32
    %dma_start3A_88 = arith.constant 320 : i32
    %dma_start3A_89 = arith.constant 0 : i32
    %dma_start3A_90 = tpu.memref_slice %arg18[%dma_start3A_88, %dma_start3A_89] : memref<512x128xf32, #tpu.memory_space<vmem>> -> memref<64x128xf32, #tpu.memory_space<vmem>>
    %dma_start3A_91 = arith.constant 0 : i32
    %dma_start3A_92 = tpu.memref_slice %arg13[%dma_start3A_87, %dma_start3A_91] : memref<208x64xi32, #tpu.memory_space<vmem>> -> memref<1x64xi32, #tpu.memory_space<vmem>>
    %dma_start3A_93 = tpu.memref_squeeze %dma_start3A_92 : memref<1x64xi32, #tpu.memory_space<vmem>> -> memref<64xi32, #tpu.memory_space<vmem>>
    %dma_start3A_94 = arith.constant 0 : i32
    %dma_start3A_95 = arith.constant 0 : i32
    %dma_start3A_96 = tpu.memref_slice %arg7[%dma_start3A_94, %dma_start3A_95] : memref<100000x128xf32, #tpu.memory_space<hbm>> -> memref<100000x128xf32, #tpu.memory_space<hbm>>
    tpu.enqueue_indirect_dma source(%dma_start3A_96 : memref<100000x128xf32, #tpu.memory_space<hbm>>) target(%dma_start3A_90 : memref<64x128xf32, #tpu.memory_space<vmem>>) offsets(%dma_start3A_93 : memref<64xi32, #tpu.memory_space<vmem>>) semaphore(%arg35 : memref<!tpu.dma_semaphore, #tpu.memory_space<semaphore_mem>>)
    %dma_start3A_97 = arith.constant 6 : i32
    %dma_start3A_98 = arith.constant 384 : i32
    %dma_start3A_99 = arith.constant 0 : i32
    %dma_start3A_100 = tpu.memref_slice %arg18[%dma_start3A_98, %dma_start3A_99] : memref<512x128xf32, #tpu.memory_space<vmem>> -> memref<64x128xf32, #tpu.memory_space<vmem>>
    %dma_start3A_101 = arith.constant 0 : i32
    %dma_start3A_102 = tpu.memref_slice %arg13[%dma_start3A_97, %dma_start3A_101] : memref<208x64xi32, #tpu.memory_space<vmem>> -> memref<1x64xi32, #tpu.memory_space<vmem>>
    %dma_start3A_103 = tpu.memref_squeeze %dma_start3A_102 : memref<1x64xi32, #tpu.memory_space<vmem>> -> memref<64xi32, #tpu.memory_space<vmem>>
    %dma_start3A_104 = arith.constant 0 : i32
    %dma_start3A_105 = arith.constant 0 : i32
    %dma_start3A_106 = tpu.memref_slice %arg7[%dma_start3A_104, %dma_start3A_105] : memref<100000x128xf32, #tpu.memory_space<hbm>> -> memref<100000x128xf32, #tpu.memory_space<hbm>>
    tpu.enqueue_indirect_dma source(%dma_start3A_106 : memref<100000x128xf32, #tpu.memory_space<hbm>>) target(%dma_start3A_100 : memref<64x128xf32, #tpu.memory_space<vmem>>) offsets(%dma_start3A_103 : memref<64xi32, #tpu.memory_space<vmem>>) semaphore(%arg36 : memref<!tpu.dma_semaphore, #tpu.memory_space<semaphore_mem>>)
    %dma_start3A_107 = arith.constant 7 : i32
    %dma_start3A_108 = arith.constant 448 : i32
    %dma_start3A_109 = arith.constant 0 : i32
    %dma_start3A_110 = tpu.memref_slice %arg18[%dma_start3A_108, %dma_start3A_109] : memref<512x128xf32, #tpu.memory_space<vmem>> -> memref<64x128xf32, #tpu.memory_space<vmem>>
    %dma_start3A_111 = arith.constant 0 : i32
    %dma_start3A_112 = tpu.memref_slice %arg13[%dma_start3A_107, %dma_start3A_111] : memref<208x64xi32, #tpu.memory_space<vmem>> -> memref<1x64xi32, #tpu.memory_space<vmem>>
    %dma_start3A_113 = tpu.memref_squeeze %dma_start3A_112 : memref<1x64xi32, #tpu.memory_space<vmem>> -> memref<64xi32, #tpu.memory_space<vmem>>
    %dma_start3A_114 = arith.constant 0 : i32
    %dma_start3A_115 = arith.constant 0 : i32
    %dma_start3A_116 = tpu.memref_slice %arg7[%dma_start3A_114, %dma_start3A_115] : memref<100000x128xf32, #tpu.memory_space<hbm>> -> memref<100000x128xf32, #tpu.memory_space<hbm>>
    tpu.enqueue_indirect_dma source(%dma_start3A_116 : memref<100000x128xf32, #tpu.memory_space<hbm>>) target(%dma_start3A_110 : memref<64x128xf32, #tpu.memory_space<vmem>>) offsets(%dma_start3A_113 : memref<64xi32, #tpu.memory_space<vmem>>) semaphore(%arg37 : memref<!tpu.dma_semaphore, #tpu.memory_space<semaphore_mem>>)
    %dma_start3A_117 = arith.constant 0 : i32
    %dma_start3A_118 = arith.constant 0 : i32
    %dma_start3A_119 = tpu.memref_slice %arg11[%dma_start3A_117, %dma_start3A_118] : memref<8x64xi32, #tpu.memory_space<vmem>> -> memref<1x64xi32, #tpu.memory_space<vmem>>
    %dma_start3A_120 = tpu.memref_squeeze %dma_start3A_119 : memref<1x64xi32, #tpu.memory_space<vmem>> -> memref<64xi32, #tpu.memory_space<vmem>>
    %dma_start3A_121 = arith.constant 0 : i32
    %dma_start3A_122 = arith.constant 0 : i32
    %dma_start3A_123 = tpu.memref_slice %arg5[%dma_start3A_121, %dma_start3A_122] : memref<1000000x128xf32, #tpu.memory_space<hbm>> -> memref<1000000x128xf32, #tpu.memory_space<hbm>>
    tpu.enqueue_indirect_dma source(%dma_start3A_123 : memref<1000000x128xf32, #tpu.memory_space<hbm>>) target(%arg14 : memref<64x128xf32, #tpu.memory_space<vmem>>) offsets(%dma_start3A_120 : memref<64xi32, #tpu.memory_space<vmem>>) semaphore(%arg22 : memref<!tpu.dma_semaphore, #tpu.memory_space<semaphore_mem>>)
    %dma_start3A_124 = arith.constant 1 : i32
    %dma_start3A_125 = arith.constant 0 : i32
    %dma_start3A_126 = tpu.memref_slice %arg11[%dma_start3A_124, %dma_start3A_125] : memref<8x64xi32, #tpu.memory_space<vmem>> -> memref<1x64xi32, #tpu.memory_space<vmem>>
    %dma_start3A_127 = tpu.memref_squeeze %dma_start3A_126 : memref<1x64xi32, #tpu.memory_space<vmem>> -> memref<64xi32, #tpu.memory_space<vmem>>
    %dma_start3A_128 = arith.constant 0 : i32
    %dma_start3A_129 = arith.constant 0 : i32
    %dma_start3A_130 = tpu.memref_slice %arg5[%dma_start3A_128, %dma_start3A_129] : memref<1000000x128xf32, #tpu.memory_space<hbm>> -> memref<1000000x128xf32, #tpu.memory_space<hbm>>
    tpu.enqueue_indirect_dma source(%dma_start3A_130 : memref<1000000x128xf32, #tpu.memory_space<hbm>>) target(%arg15 : memref<64x128xf32, #tpu.memory_space<vmem>>) offsets(%dma_start3A_127 : memref<64xi32, #tpu.memory_space<vmem>>) semaphore(%arg23 : memref<!tpu.dma_semaphore, #tpu.memory_space<semaphore_mem>>)
    %dma_start3A_131 = arith.constant 2 : i32
    %dma_start3A_132 = arith.constant 0 : i32
    %dma_start3A_133 = tpu.memref_slice %arg11[%dma_start3A_131, %dma_start3A_132] : memref<8x64xi32, #tpu.memory_space<vmem>> -> memref<1x64xi32, #tpu.memory_space<vmem>>
    %dma_start3A_134 = tpu.memref_squeeze %dma_start3A_133 : memref<1x64xi32, #tpu.memory_space<vmem>> -> memref<64xi32, #tpu.memory_space<vmem>>
    %dma_start3A_135 = arith.constant 0 : i32
    %dma_start3A_136 = arith.constant 0 : i32
    %dma_start3A_137 = tpu.memref_slice %arg5[%dma_start3A_135, %dma_start3A_136] : memref<1000000x128xf32, #tpu.memory_space<hbm>> -> memref<1000000x128xf32, #tpu.memory_space<hbm>>
    tpu.enqueue_indirect_dma source(%dma_start3A_137 : memref<1000000x128xf32, #tpu.memory_space<hbm>>) target(%arg16 : memref<64x128xf32, #tpu.memory_space<vmem>>) offsets(%dma_start3A_134 : memref<64xi32, #tpu.memory_space<vmem>>) semaphore(%arg24 : memref<!tpu.dma_semaphore, #tpu.memory_space<semaphore_mem>>)
    %dma_start3A_138 = arith.constant 3 : i32
    %dma_start3A_139 = arith.constant 0 : i32
    %dma_start3A_140 = tpu.memref_slice %arg11[%dma_start3A_138, %dma_start3A_139] : memref<8x64xi32, #tpu.memory_space<vmem>> -> memref<1x64xi32, #tpu.memory_space<vmem>>
    %dma_start3A_141 = tpu.memref_squeeze %dma_start3A_140 : memref<1x64xi32, #tpu.memory_space<vmem>> -> memref<64xi32, #tpu.memory_space<vmem>>
    %dma_start3A_142 = arith.constant 0 : i32
    %dma_start3A_143 = arith.constant 0 : i32
    %dma_start3A_144 = tpu.memref_slice %arg5[%dma_start3A_142, %dma_start3A_143] : memref<1000000x128xf32, #tpu.memory_space<hbm>> -> memref<1000000x128xf32, #tpu.memory_space<hbm>>
    tpu.enqueue_indirect_dma source(%dma_start3A_144 : memref<1000000x128xf32, #tpu.memory_space<hbm>>) target(%arg17 : memref<64x128xf32, #tpu.memory_space<vmem>>) offsets(%dma_start3A_141 : memref<64xi32, #tpu.memory_space<vmem>>) semaphore(%arg25 : memref<!tpu.dma_semaphore, #tpu.memory_space<semaphore_mem>>)
    %dma_wait3A_145 = arith.constant 0 : i32
    %dma_wait3A_146 = arith.constant 0 : i32
    %dma_wait3A_147 = tpu.memref_slice %arg11[%dma_wait3A_145, %dma_wait3A_146] : memref<8x64xi32, #tpu.memory_space<vmem>> -> memref<1x64xi32, #tpu.memory_space<vmem>>
    %dma_wait3A_148 = tpu.memref_squeeze %dma_wait3A_147 : memref<1x64xi32, #tpu.memory_space<vmem>> -> memref<64xi32, #tpu.memory_space<vmem>>
    %dma_wait3A_149 = arith.constant 0 : i32
    %dma_wait3A_150 = arith.constant 0 : i32
    %dma_wait3A_151 = tpu.memref_slice %arg5[%dma_wait3A_149, %dma_wait3A_150] : memref<1000000x128xf32, #tpu.memory_space<hbm>> -> memref<1000000x128xf32, #tpu.memory_space<hbm>>
    tpu.wait_indirect_dma semaphore(%arg22 : memref<!tpu.dma_semaphore, #tpu.memory_space<semaphore_mem>>) src(%dma_wait3A_151 : memref<1000000x128xf32, #tpu.memory_space<hbm>>) dst(%arg14 : memref<64x128xf32, #tpu.memory_space<vmem>>)
    %add3A_152 = arith.constant 0 : i32
    %add3A_153 = arith.addi %mul3A_2, %add3A_152 : i32
    %dma_start3A_154 = arith.constant 0 : i32
    %dma_start3A_155 = tpu.memref_slice %arg8[%add3A_153, %dma_start3A_154] : memref<16384x128xf32, #tpu.memory_space<hbm>> -> memref<64x128xf32, #tpu.memory_space<hbm>>
    %dma_start3A_156 = arith.constant 0 : i32
    %dma_start3A_157 = tpu.memref_slice %arg8[%add3A_153, %dma_start3A_156] : memref<16384x128xf32, #tpu.memory_space<hbm>> -> memref<64x128xf32, #tpu.memory_space<hbm>>
    tpu.enqueue_dma source(%arg14 : memref<64x128xf32, #tpu.memory_space<vmem>>) target(%dma_start3A_157 : memref<64x128xf32, #tpu.memory_space<hbm>>) target_semaphore(%arg26 : memref<!tpu.dma_semaphore, #tpu.memory_space<semaphore_mem>>)
    %dma_wait3A_158 = arith.constant 1 : i32
    %dma_wait3A_159 = arith.constant 0 : i32
    %dma_wait3A_160 = tpu.memref_slice %arg11[%dma_wait3A_158, %dma_wait3A_159] : memref<8x64xi32, #tpu.memory_space<vmem>> -> memref<1x64xi32, #tpu.memory_space<vmem>>
    %dma_wait3A_161 = tpu.memref_squeeze %dma_wait3A_160 : memref<1x64xi32, #tpu.memory_space<vmem>> -> memref<64xi32, #tpu.memory_space<vmem>>
    %dma_wait3A_162 = arith.constant 0 : i32
    %dma_wait3A_163 = arith.constant 0 : i32
    %dma_wait3A_164 = tpu.memref_slice %arg5[%dma_wait3A_162, %dma_wait3A_163] : memref<1000000x128xf32, #tpu.memory_space<hbm>> -> memref<1000000x128xf32, #tpu.memory_space<hbm>>
    tpu.wait_indirect_dma semaphore(%arg23 : memref<!tpu.dma_semaphore, #tpu.memory_space<semaphore_mem>>) src(%dma_wait3A_164 : memref<1000000x128xf32, #tpu.memory_space<hbm>>) dst(%arg15 : memref<64x128xf32, #tpu.memory_space<vmem>>)
    %add3A_165 = arith.constant 64 : i32
    %add3A_166 = arith.addi %mul3A_2, %add3A_165 : i32
    %dma_start3A_167 = arith.constant 0 : i32
    %dma_start3A_168 = tpu.memref_slice %arg8[%add3A_166, %dma_start3A_167] : memref<16384x128xf32, #tpu.memory_space<hbm>> -> memref<64x128xf32, #tpu.memory_space<hbm>>
    %dma_start3A_169 = arith.constant 0 : i32
    %dma_start3A_170 = tpu.memref_slice %arg8[%add3A_166, %dma_start3A_169] : memref<16384x128xf32, #tpu.memory_space<hbm>> -> memref<64x128xf32, #tpu.memory_space<hbm>>
    tpu.enqueue_dma source(%arg15 : memref<64x128xf32, #tpu.memory_space<vmem>>) target(%dma_start3A_170 : memref<64x128xf32, #tpu.memory_space<hbm>>) target_semaphore(%arg27 : memref<!tpu.dma_semaphore, #tpu.memory_space<semaphore_mem>>)
    %dma_wait3A_171 = arith.constant 2 : i32
    %dma_wait3A_172 = arith.constant 0 : i32
    %dma_wait3A_173 = tpu.memref_slice %arg11[%dma_wait3A_171, %dma_wait3A_172] : memref<8x64xi32, #tpu.memory_space<vmem>> -> memref<1x64xi32, #tpu.memory_space<vmem>>
    %dma_wait3A_174 = tpu.memref_squeeze %dma_wait3A_173 : memref<1x64xi32, #tpu.memory_space<vmem>> -> memref<64xi32, #tpu.memory_space<vmem>>
    %dma_wait3A_175 = arith.constant 0 : i32
    %dma_wait3A_176 = arith.constant 0 : i32
    %dma_wait3A_177 = tpu.memref_slice %arg5[%dma_wait3A_175, %dma_wait3A_176] : memref<1000000x128xf32, #tpu.memory_space<hbm>> -> memref<1000000x128xf32, #tpu.memory_space<hbm>>
    tpu.wait_indirect_dma semaphore(%arg24 : memref<!tpu.dma_semaphore, #tpu.memory_space<semaphore_mem>>) src(%dma_wait3A_177 : memref<1000000x128xf32, #tpu.memory_space<hbm>>) dst(%arg16 : memref<64x128xf32, #tpu.memory_space<vmem>>)
    %add3A_178 = arith.constant 128 : i32
    %add3A_179 = arith.addi %mul3A_2, %add3A_178 : i32
    %dma_start3A_180 = arith.constant 0 : i32
    %dma_start3A_181 = tpu.memref_slice %arg8[%add3A_179, %dma_start3A_180] : memref<16384x128xf32, #tpu.memory_space<hbm>> -> memref<64x128xf32, #tpu.memory_space<hbm>>
    %dma_start3A_182 = arith.constant 0 : i32
    %dma_start3A_183 = tpu.memref_slice %arg8[%add3A_179, %dma_start3A_182] : memref<16384x128xf32, #tpu.memory_space<hbm>> -> memref<64x128xf32, #tpu.memory_space<hbm>>
    tpu.enqueue_dma source(%arg16 : memref<64x128xf32, #tpu.memory_space<vmem>>) target(%dma_start3A_183 : memref<64x128xf32, #tpu.memory_space<hbm>>) target_semaphore(%arg28 : memref<!tpu.dma_semaphore, #tpu.memory_space<semaphore_mem>>)
    %dma_wait3A_184 = arith.constant 3 : i32
    %dma_wait3A_185 = arith.constant 0 : i32
    %dma_wait3A_186 = tpu.memref_slice %arg11[%dma_wait3A_184, %dma_wait3A_185] : memref<8x64xi32, #tpu.memory_space<vmem>> -> memref<1x64xi32, #tpu.memory_space<vmem>>
    %dma_wait3A_187 = tpu.memref_squeeze %dma_wait3A_186 : memref<1x64xi32, #tpu.memory_space<vmem>> -> memref<64xi32, #tpu.memory_space<vmem>>
    %dma_wait3A_188 = arith.constant 0 : i32
    %dma_wait3A_189 = arith.constant 0 : i32
    %dma_wait3A_190 = tpu.memref_slice %arg5[%dma_wait3A_188, %dma_wait3A_189] : memref<1000000x128xf32, #tpu.memory_space<hbm>> -> memref<1000000x128xf32, #tpu.memory_space<hbm>>
    tpu.wait_indirect_dma semaphore(%arg25 : memref<!tpu.dma_semaphore, #tpu.memory_space<semaphore_mem>>) src(%dma_wait3A_190 : memref<1000000x128xf32, #tpu.memory_space<hbm>>) dst(%arg17 : memref<64x128xf32, #tpu.memory_space<vmem>>)
    %add3A_191 = arith.constant 192 : i32
    %add3A_192 = arith.addi %mul3A_2, %add3A_191 : i32
    %dma_start3A_193 = arith.constant 0 : i32
    %dma_start3A_194 = tpu.memref_slice %arg8[%add3A_192, %dma_start3A_193] : memref<16384x128xf32, #tpu.memory_space<hbm>> -> memref<64x128xf32, #tpu.memory_space<hbm>>
    %dma_start3A_195 = arith.constant 0 : i32
    %dma_start3A_196 = tpu.memref_slice %arg8[%add3A_192, %dma_start3A_195] : memref<16384x128xf32, #tpu.memory_space<hbm>> -> memref<64x128xf32, #tpu.memory_space<hbm>>
    tpu.enqueue_dma source(%arg17 : memref<64x128xf32, #tpu.memory_space<vmem>>) target(%dma_start3A_196 : memref<64x128xf32, #tpu.memory_space<hbm>>) target_semaphore(%arg29 : memref<!tpu.dma_semaphore, #tpu.memory_space<semaphore_mem>>)
    %add3A_197 = arith.constant 0 : i32
    %add3A_198 = arith.addi %mul3A_2, %add3A_197 : i32
    %dma_wait3A_199 = arith.constant 0 : i32
    %dma_wait3A_200 = tpu.memref_slice %arg8[%add3A_198, %dma_wait3A_199] : memref<16384x128xf32, #tpu.memory_space<hbm>> -> memref<64x128xf32, #tpu.memory_space<hbm>>
    %dma_wait3A_201 = arith.constant 0 : i32
    %dma_wait3A_202 = tpu.memref_slice %arg8[%add3A_198, %dma_wait3A_201] : memref<16384x128xf32, #tpu.memory_space<hbm>> -> memref<64x128xf32, #tpu.memory_space<hbm>>
    tpu.wait_dma2 semaphore(%arg26 : memref<!tpu.dma_semaphore, #tpu.memory_space<semaphore_mem>>) src(%arg14 : memref<64x128xf32, #tpu.memory_space<vmem>>) dst(%dma_wait3A_202 : memref<64x128xf32, #tpu.memory_space<hbm>>)
    %dma_start3A_203 = arith.constant 4 : i32
    %dma_start3A_204 = arith.constant 0 : i32
    %dma_start3A_205 = tpu.memref_slice %arg11[%dma_start3A_203, %dma_start3A_204] : memref<8x64xi32, #tpu.memory_space<vmem>> -> memref<1x64xi32, #tpu.memory_space<vmem>>
    %dma_start3A_206 = tpu.memref_squeeze %dma_start3A_205 : memref<1x64xi32, #tpu.memory_space<vmem>> -> memref<64xi32, #tpu.memory_space<vmem>>
    %dma_start3A_207 = arith.constant 0 : i32
    %dma_start3A_208 = arith.constant 0 : i32
    %dma_start3A_209 = tpu.memref_slice %arg5[%dma_start3A_207, %dma_start3A_208] : memref<1000000x128xf32, #tpu.memory_space<hbm>> -> memref<1000000x128xf32, #tpu.memory_space<hbm>>
    tpu.enqueue_indirect_dma source(%dma_start3A_209 : memref<1000000x128xf32, #tpu.memory_space<hbm>>) target(%arg14 : memref<64x128xf32, #tpu.memory_space<vmem>>) offsets(%dma_start3A_206 : memref<64xi32, #tpu.memory_space<vmem>>) semaphore(%arg22 : memref<!tpu.dma_semaphore, #tpu.memory_space<semaphore_mem>>)
    %add3A_210 = arith.constant 64 : i32
    %add3A_211 = arith.addi %mul3A_2, %add3A_210 : i32
    %dma_wait3A_212 = arith.constant 0 : i32
    %dma_wait3A_213 = tpu.memref_slice %arg8[%add3A_211, %dma_wait3A_212] : memref<16384x128xf32, #tpu.memory_space<hbm>> -> memref<64x128xf32, #tpu.memory_space<hbm>>
    %dma_wait3A_214 = arith.constant 0 : i32
    %dma_wait3A_215 = tpu.memref_slice %arg8[%add3A_211, %dma_wait3A_214] : memref<16384x128xf32, #tpu.memory_space<hbm>> -> memref<64x128xf32, #tpu.memory_space<hbm>>
    tpu.wait_dma2 semaphore(%arg27 : memref<!tpu.dma_semaphore, #tpu.memory_space<semaphore_mem>>) src(%arg15 : memref<64x128xf32, #tpu.memory_space<vmem>>) dst(%dma_wait3A_215 : memref<64x128xf32, #tpu.memory_space<hbm>>)
    %dma_start3A_216 = arith.constant 5 : i32
    %dma_start3A_217 = arith.constant 0 : i32
    %dma_start3A_218 = tpu.memref_slice %arg11[%dma_start3A_216, %dma_start3A_217] : memref<8x64xi32, #tpu.memory_space<vmem>> -> memref<1x64xi32, #tpu.memory_space<vmem>>
    %dma_start3A_219 = tpu.memref_squeeze %dma_start3A_218 : memref<1x64xi32, #tpu.memory_space<vmem>> -> memref<64xi32, #tpu.memory_space<vmem>>
    %dma_start3A_220 = arith.constant 0 : i32
    %dma_start3A_221 = arith.constant 0 : i32
    %dma_start3A_222 = tpu.memref_slice %arg5[%dma_start3A_220, %dma_start3A_221] : memref<1000000x128xf32, #tpu.memory_space<hbm>> -> memref<1000000x128xf32, #tpu.memory_space<hbm>>
    tpu.enqueue_indirect_dma source(%dma_start3A_222 : memref<1000000x128xf32, #tpu.memory_space<hbm>>) target(%arg15 : memref<64x128xf32, #tpu.memory_space<vmem>>) offsets(%dma_start3A_219 : memref<64xi32, #tpu.memory_space<vmem>>) semaphore(%arg23 : memref<!tpu.dma_semaphore, #tpu.memory_space<semaphore_mem>>)
    %add3A_223 = arith.constant 128 : i32
    %add3A_224 = arith.addi %mul3A_2, %add3A_223 : i32
    %dma_wait3A_225 = arith.constant 0 : i32
    %dma_wait3A_226 = tpu.memref_slice %arg8[%add3A_224, %dma_wait3A_225] : memref<16384x128xf32, #tpu.memory_space<hbm>> -> memref<64x128xf32, #tpu.memory_space<hbm>>
    %dma_wait3A_227 = arith.constant 0 : i32
    %dma_wait3A_228 = tpu.memref_slice %arg8[%add3A_224, %dma_wait3A_227] : memref<16384x128xf32, #tpu.memory_space<hbm>> -> memref<64x128xf32, #tpu.memory_space<hbm>>
    tpu.wait_dma2 semaphore(%arg28 : memref<!tpu.dma_semaphore, #tpu.memory_space<semaphore_mem>>) src(%arg16 : memref<64x128xf32, #tpu.memory_space<vmem>>) dst(%dma_wait3A_228 : memref<64x128xf32, #tpu.memory_space<hbm>>)
    %dma_start3A_229 = arith.constant 6 : i32
    %dma_start3A_230 = arith.constant 0 : i32
    %dma_start3A_231 = tpu.memref_slice %arg11[%dma_start3A_229, %dma_start3A_230] : memref<8x64xi32, #tpu.memory_space<vmem>> -> memref<1x64xi32, #tpu.memory_space<vmem>>
    %dma_start3A_232 = tpu.memref_squeeze %dma_start3A_231 : memref<1x64xi32, #tpu.memory_space<vmem>> -> memref<64xi32, #tpu.memory_space<vmem>>
    %dma_start3A_233 = arith.constant 0 : i32
    %dma_start3A_234 = arith.constant 0 : i32
    %dma_start3A_235 = tpu.memref_slice %arg5[%dma_start3A_233, %dma_start3A_234] : memref<1000000x128xf32, #tpu.memory_space<hbm>> -> memref<1000000x128xf32, #tpu.memory_space<hbm>>
    tpu.enqueue_indirect_dma source(%dma_start3A_235 : memref<1000000x128xf32, #tpu.memory_space<hbm>>) target(%arg16 : memref<64x128xf32, #tpu.memory_space<vmem>>) offsets(%dma_start3A_232 : memref<64xi32, #tpu.memory_space<vmem>>) semaphore(%arg24 : memref<!tpu.dma_semaphore, #tpu.memory_space<semaphore_mem>>)
    %add3A_236 = arith.constant 192 : i32
    %add3A_237 = arith.addi %mul3A_2, %add3A_236 : i32
    %dma_wait3A_238 = arith.constant 0 : i32
    %dma_wait3A_239 = tpu.memref_slice %arg8[%add3A_237, %dma_wait3A_238] : memref<16384x128xf32, #tpu.memory_space<hbm>> -> memref<64x128xf32, #tpu.memory_space<hbm>>
    %dma_wait3A_240 = arith.constant 0 : i32
    %dma_wait3A_241 = tpu.memref_slice %arg8[%add3A_237, %dma_wait3A_240] : memref<16384x128xf32, #tpu.memory_space<hbm>> -> memref<64x128xf32, #tpu.memory_space<hbm>>
    tpu.wait_dma2 semaphore(%arg29 : memref<!tpu.dma_semaphore, #tpu.memory_space<semaphore_mem>>) src(%arg17 : memref<64x128xf32, #tpu.memory_space<vmem>>) dst(%dma_wait3A_241 : memref<64x128xf32, #tpu.memory_space<hbm>>)
    %dma_start3A_242 = arith.constant 7 : i32
    %dma_start3A_243 = arith.constant 0 : i32
    %dma_start3A_244 = tpu.memref_slice %arg11[%dma_start3A_242, %dma_start3A_243] : memref<8x64xi32, #tpu.memory_space<vmem>> -> memref<1x64xi32, #tpu.memory_space<vmem>>
    %dma_start3A_245 = tpu.memref_squeeze %dma_start3A_244 : memref<1x64xi32, #tpu.memory_space<vmem>> -> memref<64xi32, #tpu.memory_space<vmem>>
    %dma_start3A_246 = arith.constant 0 : i32
    %dma_start3A_247 = arith.constant 0 : i32
    %dma_start3A_248 = tpu.memref_slice %arg5[%dma_start3A_246, %dma_start3A_247] : memref<1000000x128xf32, #tpu.memory_space<hbm>> -> memref<1000000x128xf32, #tpu.memory_space<hbm>>
    tpu.enqueue_indirect_dma source(%dma_start3A_248 : memref<1000000x128xf32, #tpu.memory_space<hbm>>) target(%arg17 : memref<64x128xf32, #tpu.memory_space<vmem>>) offsets(%dma_start3A_245 : memref<64xi32, #tpu.memory_space<vmem>>) semaphore(%arg25 : memref<!tpu.dma_semaphore, #tpu.memory_space<semaphore_mem>>)
    %dma_wait3A_249 = arith.constant 4 : i32
    %dma_wait3A_250 = arith.constant 0 : i32
    %dma_wait3A_251 = tpu.memref_slice %arg11[%dma_wait3A_249, %dma_wait3A_250] : memref<8x64xi32, #tpu.memory_space<vmem>> -> memref<1x64xi32, #tpu.memory_space<vmem>>
    %dma_wait3A_252 = tpu.memref_squeeze %dma_wait3A_251 : memref<1x64xi32, #tpu.memory_space<vmem>> -> memref<64xi32, #tpu.memory_space<vmem>>
    %dma_wait3A_253 = arith.constant 0 : i32
    %dma_wait3A_254 = arith.constant 0 : i32
    %dma_wait3A_255 = tpu.memref_slice %arg5[%dma_wait3A_253, %dma_wait3A_254] : memref<1000000x128xf32, #tpu.memory_space<hbm>> -> memref<1000000x128xf32, #tpu.memory_space<hbm>>
    tpu.wait_indirect_dma semaphore(%arg22 : memref<!tpu.dma_semaphore, #tpu.memory_space<semaphore_mem>>) src(%dma_wait3A_255 : memref<1000000x128xf32, #tpu.memory_space<hbm>>) dst(%arg14 : memref<64x128xf32, #tpu.memory_space<vmem>>)
    %add3A_256 = arith.constant 256 : i32
    %add3A_257 = arith.addi %mul3A_2, %add3A_256 : i32
    %dma_start3A_258 = arith.constant 0 : i32
    %dma_start3A_259 = tpu.memref_slice %arg8[%add3A_257, %dma_start3A_258] : memref<16384x128xf32, #tpu.memory_space<hbm>> -> memref<64x128xf32, #tpu.memory_space<hbm>>
    %dma_start3A_260 = arith.constant 0 : i32
    %dma_start3A_261 = tpu.memref_slice %arg8[%add3A_257, %dma_start3A_260] : memref<16384x128xf32, #tpu.memory_space<hbm>> -> memref<64x128xf32, #tpu.memory_space<hbm>>
    tpu.enqueue_dma source(%arg14 : memref<64x128xf32, #tpu.memory_space<vmem>>) target(%dma_start3A_261 : memref<64x128xf32, #tpu.memory_space<hbm>>) target_semaphore(%arg26 : memref<!tpu.dma_semaphore, #tpu.memory_space<semaphore_mem>>)
    %dma_wait3A_262 = arith.constant 5 : i32
    %dma_wait3A_263 = arith.constant 0 : i32
    %dma_wait3A_264 = tpu.memref_slice %arg11[%dma_wait3A_262, %dma_wait3A_263] : memref<8x64xi32, #tpu.memory_space<vmem>> -> memref<1x64xi32, #tpu.memory_space<vmem>>
    %dma_wait3A_265 = tpu.memref_squeeze %dma_wait3A_264 : memref<1x64xi32, #tpu.memory_space<vmem>> -> memref<64xi32, #tpu.memory_space<vmem>>
    %dma_wait3A_266 = arith.constant 0 : i32
    %dma_wait3A_267 = arith.constant 0 : i32
    %dma_wait3A_268 = tpu.memref_slice %arg5[%dma_wait3A_266, %dma_wait3A_267] : memref<1000000x128xf32, #tpu.memory_space<hbm>> -> memref<1000000x128xf32, #tpu.memory_space<hbm>>
    tpu.wait_indirect_dma semaphore(%arg23 : memref<!tpu.dma_semaphore, #tpu.memory_space<semaphore_mem>>) src(%dma_wait3A_268 : memref<1000000x128xf32, #tpu.memory_space<hbm>>) dst(%arg15 : memref<64x128xf32, #tpu.memory_space<vmem>>)
    %add3A_269 = arith.constant 320 : i32
    %add3A_270 = arith.addi %mul3A_2, %add3A_269 : i32
    %dma_start3A_271 = arith.constant 0 : i32
    %dma_start3A_272 = tpu.memref_slice %arg8[%add3A_270, %dma_start3A_271] : memref<16384x128xf32, #tpu.memory_space<hbm>> -> memref<64x128xf32, #tpu.memory_space<hbm>>
    %dma_start3A_273 = arith.constant 0 : i32
    %dma_start3A_274 = tpu.memref_slice %arg8[%add3A_270, %dma_start3A_273] : memref<16384x128xf32, #tpu.memory_space<hbm>> -> memref<64x128xf32, #tpu.memory_space<hbm>>
    tpu.enqueue_dma source(%arg15 : memref<64x128xf32, #tpu.memory_space<vmem>>) target(%dma_start3A_274 : memref<64x128xf32, #tpu.memory_space<hbm>>) target_semaphore(%arg27 : memref<!tpu.dma_semaphore, #tpu.memory_space<semaphore_mem>>)
    %dma_wait3A_275 = arith.constant 6 : i32
    %dma_wait3A_276 = arith.constant 0 : i32
    %dma_wait3A_277 = tpu.memref_slice %arg11[%dma_wait3A_275, %dma_wait3A_276] : memref<8x64xi32, #tpu.memory_space<vmem>> -> memref<1x64xi32, #tpu.memory_space<vmem>>
    %dma_wait3A_278 = tpu.memref_squeeze %dma_wait3A_277 : memref<1x64xi32, #tpu.memory_space<vmem>> -> memref<64xi32, #tpu.memory_space<vmem>>
    %dma_wait3A_279 = arith.constant 0 : i32
    %dma_wait3A_280 = arith.constant 0 : i32
    %dma_wait3A_281 = tpu.memref_slice %arg5[%dma_wait3A_279, %dma_wait3A_280] : memref<1000000x128xf32, #tpu.memory_space<hbm>> -> memref<1000000x128xf32, #tpu.memory_space<hbm>>
    tpu.wait_indirect_dma semaphore(%arg24 : memref<!tpu.dma_semaphore, #tpu.memory_space<semaphore_mem>>) src(%dma_wait3A_281 : memref<1000000x128xf32, #tpu.memory_space<hbm>>) dst(%arg16 : memref<64x128xf32, #tpu.memory_space<vmem>>)
    %add3A_282 = arith.constant 384 : i32
    %add3A_283 = arith.addi %mul3A_2, %add3A_282 : i32
    %dma_start3A_284 = arith.constant 0 : i32
    %dma_start3A_285 = tpu.memref_slice %arg8[%add3A_283, %dma_start3A_284] : memref<16384x128xf32, #tpu.memory_space<hbm>> -> memref<64x128xf32, #tpu.memory_space<hbm>>
    %dma_start3A_286 = arith.constant 0 : i32
    %dma_start3A_287 = tpu.memref_slice %arg8[%add3A_283, %dma_start3A_286] : memref<16384x128xf32, #tpu.memory_space<hbm>> -> memref<64x128xf32, #tpu.memory_space<hbm>>
    tpu.enqueue_dma source(%arg16 : memref<64x128xf32, #tpu.memory_space<vmem>>) target(%dma_start3A_287 : memref<64x128xf32, #tpu.memory_space<hbm>>) target_semaphore(%arg28 : memref<!tpu.dma_semaphore, #tpu.memory_space<semaphore_mem>>)
    %dma_wait3A_288 = arith.constant 7 : i32
    %dma_wait3A_289 = arith.constant 0 : i32
    %dma_wait3A_290 = tpu.memref_slice %arg11[%dma_wait3A_288, %dma_wait3A_289] : memref<8x64xi32, #tpu.memory_space<vmem>> -> memref<1x64xi32, #tpu.memory_space<vmem>>
    %dma_wait3A_291 = tpu.memref_squeeze %dma_wait3A_290 : memref<1x64xi32, #tpu.memory_space<vmem>> -> memref<64xi32, #tpu.memory_space<vmem>>
    %dma_wait3A_292 = arith.constant 0 : i32
    %dma_wait3A_293 = arith.constant 0 : i32
    %dma_wait3A_294 = tpu.memref_slice %arg5[%dma_wait3A_292, %dma_wait3A_293] : memref<1000000x128xf32, #tpu.memory_space<hbm>> -> memref<1000000x128xf32, #tpu.memory_space<hbm>>
    tpu.wait_indirect_dma semaphore(%arg25 : memref<!tpu.dma_semaphore, #tpu.memory_space<semaphore_mem>>) src(%dma_wait3A_294 : memref<1000000x128xf32, #tpu.memory_space<hbm>>) dst(%arg17 : memref<64x128xf32, #tpu.memory_space<vmem>>)
    %add3A_295 = arith.constant 448 : i32
    %add3A_296 = arith.addi %mul3A_2, %add3A_295 : i32
    %dma_start3A_297 = arith.constant 0 : i32
    %dma_start3A_298 = tpu.memref_slice %arg8[%add3A_296, %dma_start3A_297] : memref<16384x128xf32, #tpu.memory_space<hbm>> -> memref<64x128xf32, #tpu.memory_space<hbm>>
    %dma_start3A_299 = arith.constant 0 : i32
    %dma_start3A_300 = tpu.memref_slice %arg8[%add3A_296, %dma_start3A_299] : memref<16384x128xf32, #tpu.memory_space<hbm>> -> memref<64x128xf32, #tpu.memory_space<hbm>>
    tpu.enqueue_dma source(%arg17 : memref<64x128xf32, #tpu.memory_space<vmem>>) target(%dma_start3A_300 : memref<64x128xf32, #tpu.memory_space<hbm>>) target_semaphore(%arg29 : memref<!tpu.dma_semaphore, #tpu.memory_space<semaphore_mem>>)
    %add3A_301 = arith.constant 256 : i32
    %add3A_302 = arith.addi %mul3A_2, %add3A_301 : i32
    %dma_wait3A_303 = arith.constant 0 : i32
    %dma_wait3A_304 = tpu.memref_slice %arg8[%add3A_302, %dma_wait3A_303] : memref<16384x128xf32, #tpu.memory_space<hbm>> -> memref<64x128xf32, #tpu.memory_space<hbm>>
    %dma_wait3A_305 = arith.constant 0 : i32
    %dma_wait3A_306 = tpu.memref_slice %arg8[%add3A_302, %dma_wait3A_305] : memref<16384x128xf32, #tpu.memory_space<hbm>> -> memref<64x128xf32, #tpu.memory_space<hbm>>
    tpu.wait_dma2 semaphore(%arg26 : memref<!tpu.dma_semaphore, #tpu.memory_space<semaphore_mem>>) src(%arg14 : memref<64x128xf32, #tpu.memory_space<vmem>>) dst(%dma_wait3A_306 : memref<64x128xf32, #tpu.memory_space<hbm>>)
    %dma_start3A_307 = arith.constant 0 : i32
    %dma_start3A_308 = arith.constant 0 : i32
    %dma_start3A_309 = tpu.memref_slice %arg12[%dma_start3A_307, %dma_start3A_308] : memref<8x64xi32, #tpu.memory_space<vmem>> -> memref<1x64xi32, #tpu.memory_space<vmem>>
    %dma_start3A_310 = tpu.memref_squeeze %dma_start3A_309 : memref<1x64xi32, #tpu.memory_space<vmem>> -> memref<64xi32, #tpu.memory_space<vmem>>
    %dma_start3A_311 = arith.constant 0 : i32
    %dma_start3A_312 = arith.constant 0 : i32
    %dma_start3A_313 = tpu.memref_slice %arg6[%dma_start3A_311, %dma_start3A_312] : memref<1000000x128xf32, #tpu.memory_space<hbm>> -> memref<1000000x128xf32, #tpu.memory_space<hbm>>
    tpu.enqueue_indirect_dma source(%dma_start3A_313 : memref<1000000x128xf32, #tpu.memory_space<hbm>>) target(%arg14 : memref<64x128xf32, #tpu.memory_space<vmem>>) offsets(%dma_start3A_310 : memref<64xi32, #tpu.memory_space<vmem>>) semaphore(%arg22 : memref<!tpu.dma_semaphore, #tpu.memory_space<semaphore_mem>>)
    %add3A_314 = arith.constant 320 : i32
    %add3A_315 = arith.addi %mul3A_2, %add3A_314 : i32
    %dma_wait3A_316 = arith.constant 0 : i32
    %dma_wait3A_317 = tpu.memref_slice %arg8[%add3A_315, %dma_wait3A_316] : memref<16384x128xf32, #tpu.memory_space<hbm>> -> memref<64x128xf32, #tpu.memory_space<hbm>>
    %dma_wait3A_318 = arith.constant 0 : i32
    %dma_wait3A_319 = tpu.memref_slice %arg8[%add3A_315, %dma_wait3A_318] : memref<16384x128xf32, #tpu.memory_space<hbm>> -> memref<64x128xf32, #tpu.memory_space<hbm>>
    tpu.wait_dma2 semaphore(%arg27 : memref<!tpu.dma_semaphore, #tpu.memory_space<semaphore_mem>>) src(%arg15 : memref<64x128xf32, #tpu.memory_space<vmem>>) dst(%dma_wait3A_319 : memref<64x128xf32, #tpu.memory_space<hbm>>)
    %dma_start3A_320 = arith.constant 1 : i32
    %dma_start3A_321 = arith.constant 0 : i32
    %dma_start3A_322 = tpu.memref_slice %arg12[%dma_start3A_320, %dma_start3A_321] : memref<8x64xi32, #tpu.memory_space<vmem>> -> memref<1x64xi32, #tpu.memory_space<vmem>>
    %dma_start3A_323 = tpu.memref_squeeze %dma_start3A_322 : memref<1x64xi32, #tpu.memory_space<vmem>> -> memref<64xi32, #tpu.memory_space<vmem>>
    %dma_start3A_324 = arith.constant 0 : i32
    %dma_start3A_325 = arith.constant 0 : i32
    %dma_start3A_326 = tpu.memref_slice %arg6[%dma_start3A_324, %dma_start3A_325] : memref<1000000x128xf32, #tpu.memory_space<hbm>> -> memref<1000000x128xf32, #tpu.memory_space<hbm>>
    tpu.enqueue_indirect_dma source(%dma_start3A_326 : memref<1000000x128xf32, #tpu.memory_space<hbm>>) target(%arg15 : memref<64x128xf32, #tpu.memory_space<vmem>>) offsets(%dma_start3A_323 : memref<64xi32, #tpu.memory_space<vmem>>) semaphore(%arg23 : memref<!tpu.dma_semaphore, #tpu.memory_space<semaphore_mem>>)
    %add3A_327 = arith.constant 384 : i32
    %add3A_328 = arith.addi %mul3A_2, %add3A_327 : i32
    %dma_wait3A_329 = arith.constant 0 : i32
    %dma_wait3A_330 = tpu.memref_slice %arg8[%add3A_328, %dma_wait3A_329] : memref<16384x128xf32, #tpu.memory_space<hbm>> -> memref<64x128xf32, #tpu.memory_space<hbm>>
    %dma_wait3A_331 = arith.constant 0 : i32
    %dma_wait3A_332 = tpu.memref_slice %arg8[%add3A_328, %dma_wait3A_331] : memref<16384x128xf32, #tpu.memory_space<hbm>> -> memref<64x128xf32, #tpu.memory_space<hbm>>
    tpu.wait_dma2 semaphore(%arg28 : memref<!tpu.dma_semaphore, #tpu.memory_space<semaphore_mem>>) src(%arg16 : memref<64x128xf32, #tpu.memory_space<vmem>>) dst(%dma_wait3A_332 : memref<64x128xf32, #tpu.memory_space<hbm>>)
    %dma_start3A_333 = arith.constant 2 : i32
    %dma_start3A_334 = arith.constant 0 : i32
    %dma_start3A_335 = tpu.memref_slice %arg12[%dma_start3A_333, %dma_start3A_334] : memref<8x64xi32, #tpu.memory_space<vmem>> -> memref<1x64xi32, #tpu.memory_space<vmem>>
    %dma_start3A_336 = tpu.memref_squeeze %dma_start3A_335 : memref<1x64xi32, #tpu.memory_space<vmem>> -> memref<64xi32, #tpu.memory_space<vmem>>
    %dma_start3A_337 = arith.constant 0 : i32
    %dma_start3A_338 = arith.constant 0 : i32
    %dma_start3A_339 = tpu.memref_slice %arg6[%dma_start3A_337, %dma_start3A_338] : memref<1000000x128xf32, #tpu.memory_space<hbm>> -> memref<1000000x128xf32, #tpu.memory_space<hbm>>
    tpu.enqueue_indirect_dma source(%dma_start3A_339 : memref<1000000x128xf32, #tpu.memory_space<hbm>>) target(%arg16 : memref<64x128xf32, #tpu.memory_space<vmem>>) offsets(%dma_start3A_336 : memref<64xi32, #tpu.memory_space<vmem>>) semaphore(%arg24 : memref<!tpu.dma_semaphore, #tpu.memory_space<semaphore_mem>>)
    %add3A_340 = arith.constant 448 : i32
    %add3A_341 = arith.addi %mul3A_2, %add3A_340 : i32
    %dma_wait3A_342 = arith.constant 0 : i32
    %dma_wait3A_343 = tpu.memref_slice %arg8[%add3A_341, %dma_wait3A_342] : memref<16384x128xf32, #tpu.memory_space<hbm>> -> memref<64x128xf32, #tpu.memory_space<hbm>>
    %dma_wait3A_344 = arith.constant 0 : i32
    %dma_wait3A_345 = tpu.memref_slice %arg8[%add3A_341, %dma_wait3A_344] : memref<16384x128xf32, #tpu.memory_space<hbm>> -> memref<64x128xf32, #tpu.memory_space<hbm>>
    tpu.wait_dma2 semaphore(%arg29 : memref<!tpu.dma_semaphore, #tpu.memory_space<semaphore_mem>>) src(%arg17 : memref<64x128xf32, #tpu.memory_space<vmem>>) dst(%dma_wait3A_345 : memref<64x128xf32, #tpu.memory_space<hbm>>)
    %dma_start3A_346 = arith.constant 3 : i32
    %dma_start3A_347 = arith.constant 0 : i32
    %dma_start3A_348 = tpu.memref_slice %arg12[%dma_start3A_346, %dma_start3A_347] : memref<8x64xi32, #tpu.memory_space<vmem>> -> memref<1x64xi32, #tpu.memory_space<vmem>>
    %dma_start3A_349 = tpu.memref_squeeze %dma_start3A_348 : memref<1x64xi32, #tpu.memory_space<vmem>> -> memref<64xi32, #tpu.memory_space<vmem>>
    %dma_start3A_350 = arith.constant 0 : i32
    %dma_start3A_351 = arith.constant 0 : i32
    %dma_start3A_352 = tpu.memref_slice %arg6[%dma_start3A_350, %dma_start3A_351] : memref<1000000x128xf32, #tpu.memory_space<hbm>> -> memref<1000000x128xf32, #tpu.memory_space<hbm>>
    tpu.enqueue_indirect_dma source(%dma_start3A_352 : memref<1000000x128xf32, #tpu.memory_space<hbm>>) target(%arg17 : memref<64x128xf32, #tpu.memory_space<vmem>>) offsets(%dma_start3A_349 : memref<64xi32, #tpu.memory_space<vmem>>) semaphore(%arg25 : memref<!tpu.dma_semaphore, #tpu.memory_space<semaphore_mem>>)
    %dma_wait3A_353 = arith.constant 0 : i32
    %dma_wait3A_354 = arith.constant 0 : i32
    %dma_wait3A_355 = tpu.memref_slice %arg12[%dma_wait3A_353, %dma_wait3A_354] : memref<8x64xi32, #tpu.memory_space<vmem>> -> memref<1x64xi32, #tpu.memory_space<vmem>>
    %dma_wait3A_356 = tpu.memref_squeeze %dma_wait3A_355 : memref<1x64xi32, #tpu.memory_space<vmem>> -> memref<64xi32, #tpu.memory_space<vmem>>
    %dma_wait3A_357 = arith.constant 0 : i32
    %dma_wait3A_358 = arith.constant 0 : i32
    %dma_wait3A_359 = tpu.memref_slice %arg6[%dma_wait3A_357, %dma_wait3A_358] : memref<1000000x128xf32, #tpu.memory_space<hbm>> -> memref<1000000x128xf32, #tpu.memory_space<hbm>>
    tpu.wait_indirect_dma semaphore(%arg22 : memref<!tpu.dma_semaphore, #tpu.memory_space<semaphore_mem>>) src(%dma_wait3A_359 : memref<1000000x128xf32, #tpu.memory_space<hbm>>) dst(%arg14 : memref<64x128xf32, #tpu.memory_space<vmem>>)
    %add3A_360 = arith.constant 0 : i32
    %add3A_361 = arith.addi %mul3A_2, %add3A_360 : i32
    %dma_start3A_362 = arith.constant 0 : i32
    %dma_start3A_363 = tpu.memref_slice %arg9[%add3A_361, %dma_start3A_362] : memref<16384x128xf32, #tpu.memory_space<hbm>> -> memref<64x128xf32, #tpu.memory_space<hbm>>
    %dma_start3A_364 = arith.constant 0 : i32
    %dma_start3A_365 = tpu.memref_slice %arg9[%add3A_361, %dma_start3A_364] : memref<16384x128xf32, #tpu.memory_space<hbm>> -> memref<64x128xf32, #tpu.memory_space<hbm>>
    tpu.enqueue_dma source(%arg14 : memref<64x128xf32, #tpu.memory_space<vmem>>) target(%dma_start3A_365 : memref<64x128xf32, #tpu.memory_space<hbm>>) target_semaphore(%arg26 : memref<!tpu.dma_semaphore, #tpu.memory_space<semaphore_mem>>)
    %dma_wait3A_366 = arith.constant 1 : i32
    %dma_wait3A_367 = arith.constant 0 : i32
    %dma_wait3A_368 = tpu.memref_slice %arg12[%dma_wait3A_366, %dma_wait3A_367] : memref<8x64xi32, #tpu.memory_space<vmem>> -> memref<1x64xi32, #tpu.memory_space<vmem>>
    %dma_wait3A_369 = tpu.memref_squeeze %dma_wait3A_368 : memref<1x64xi32, #tpu.memory_space<vmem>> -> memref<64xi32, #tpu.memory_space<vmem>>
    %dma_wait3A_370 = arith.constant 0 : i32
    %dma_wait3A_371 = arith.constant 0 : i32
    %dma_wait3A_372 = tpu.memref_slice %arg6[%dma_wait3A_370, %dma_wait3A_371] : memref<1000000x128xf32, #tpu.memory_space<hbm>> -> memref<1000000x128xf32, #tpu.memory_space<hbm>>
    tpu.wait_indirect_dma semaphore(%arg23 : memref<!tpu.dma_semaphore, #tpu.memory_space<semaphore_mem>>) src(%dma_wait3A_372 : memref<1000000x128xf32, #tpu.memory_space<hbm>>) dst(%arg15 : memref<64x128xf32, #tpu.memory_space<vmem>>)
    %add3A_373 = arith.constant 64 : i32
    %add3A_374 = arith.addi %mul3A_2, %add3A_373 : i32
    %dma_start3A_375 = arith.constant 0 : i32
    %dma_start3A_376 = tpu.memref_slice %arg9[%add3A_374, %dma_start3A_375] : memref<16384x128xf32, #tpu.memory_space<hbm>> -> memref<64x128xf32, #tpu.memory_space<hbm>>
    %dma_start3A_377 = arith.constant 0 : i32
    %dma_start3A_378 = tpu.memref_slice %arg9[%add3A_374, %dma_start3A_377] : memref<16384x128xf32, #tpu.memory_space<hbm>> -> memref<64x128xf32, #tpu.memory_space<hbm>>
    tpu.enqueue_dma source(%arg15 : memref<64x128xf32, #tpu.memory_space<vmem>>) target(%dma_start3A_378 : memref<64x128xf32, #tpu.memory_space<hbm>>) target_semaphore(%arg27 : memref<!tpu.dma_semaphore, #tpu.memory_space<semaphore_mem>>)
    %dma_wait3A_379 = arith.constant 2 : i32
    %dma_wait3A_380 = arith.constant 0 : i32
    %dma_wait3A_381 = tpu.memref_slice %arg12[%dma_wait3A_379, %dma_wait3A_380] : memref<8x64xi32, #tpu.memory_space<vmem>> -> memref<1x64xi32, #tpu.memory_space<vmem>>
    %dma_wait3A_382 = tpu.memref_squeeze %dma_wait3A_381 : memref<1x64xi32, #tpu.memory_space<vmem>> -> memref<64xi32, #tpu.memory_space<vmem>>
    %dma_wait3A_383 = arith.constant 0 : i32
    %dma_wait3A_384 = arith.constant 0 : i32
    %dma_wait3A_385 = tpu.memref_slice %arg6[%dma_wait3A_383, %dma_wait3A_384] : memref<1000000x128xf32, #tpu.memory_space<hbm>> -> memref<1000000x128xf32, #tpu.memory_space<hbm>>
    tpu.wait_indirect_dma semaphore(%arg24 : memref<!tpu.dma_semaphore, #tpu.memory_space<semaphore_mem>>) src(%dma_wait3A_385 : memref<1000000x128xf32, #tpu.memory_space<hbm>>) dst(%arg16 : memref<64x128xf32, #tpu.memory_space<vmem>>)
    %add3A_386 = arith.constant 128 : i32
    %add3A_387 = arith.addi %mul3A_2, %add3A_386 : i32
    %dma_start3A_388 = arith.constant 0 : i32
    %dma_start3A_389 = tpu.memref_slice %arg9[%add3A_387, %dma_start3A_388] : memref<16384x128xf32, #tpu.memory_space<hbm>> -> memref<64x128xf32, #tpu.memory_space<hbm>>
    %dma_start3A_390 = arith.constant 0 : i32
    %dma_start3A_391 = tpu.memref_slice %arg9[%add3A_387, %dma_start3A_390] : memref<16384x128xf32, #tpu.memory_space<hbm>> -> memref<64x128xf32, #tpu.memory_space<hbm>>
    tpu.enqueue_dma source(%arg16 : memref<64x128xf32, #tpu.memory_space<vmem>>) target(%dma_start3A_391 : memref<64x128xf32, #tpu.memory_space<hbm>>) target_semaphore(%arg28 : memref<!tpu.dma_semaphore, #tpu.memory_space<semaphore_mem>>)
    %dma_wait3A_392 = arith.constant 3 : i32
    %dma_wait3A_393 = arith.constant 0 : i32
    %dma_wait3A_394 = tpu.memref_slice %arg12[%dma_wait3A_392, %dma_wait3A_393] : memref<8x64xi32, #tpu.memory_space<vmem>> -> memref<1x64xi32, #tpu.memory_space<vmem>>
    %dma_wait3A_395 = tpu.memref_squeeze %dma_wait3A_394 : memref<1x64xi32, #tpu.memory_space<vmem>> -> memref<64xi32, #tpu.memory_space<vmem>>
    %dma_wait3A_396 = arith.constant 0 : i32
    %dma_wait3A_397 = arith.constant 0 : i32
    %dma_wait3A_398 = tpu.memref_slice %arg6[%dma_wait3A_396, %dma_wait3A_397] : memref<1000000x128xf32, #tpu.memory_space<hbm>> -> memref<1000000x128xf32, #tpu.memory_space<hbm>>
    tpu.wait_indirect_dma semaphore(%arg25 : memref<!tpu.dma_semaphore, #tpu.memory_space<semaphore_mem>>) src(%dma_wait3A_398 : memref<1000000x128xf32, #tpu.memory_space<hbm>>) dst(%arg17 : memref<64x128xf32, #tpu.memory_space<vmem>>)
    %add3A_399 = arith.constant 192 : i32
    %add3A_400 = arith.addi %mul3A_2, %add3A_399 : i32
    %dma_start3A_401 = arith.constant 0 : i32
    %dma_start3A_402 = tpu.memref_slice %arg9[%add3A_400, %dma_start3A_401] : memref<16384x128xf32, #tpu.memory_space<hbm>> -> memref<64x128xf32, #tpu.memory_space<hbm>>
    %dma_start3A_403 = arith.constant 0 : i32
    %dma_start3A_404 = tpu.memref_slice %arg9[%add3A_400, %dma_start3A_403] : memref<16384x128xf32, #tpu.memory_space<hbm>> -> memref<64x128xf32, #tpu.memory_space<hbm>>
    tpu.enqueue_dma source(%arg17 : memref<64x128xf32, #tpu.memory_space<vmem>>) target(%dma_start3A_404 : memref<64x128xf32, #tpu.memory_space<hbm>>) target_semaphore(%arg29 : memref<!tpu.dma_semaphore, #tpu.memory_space<semaphore_mem>>)
    %add3A_405 = arith.constant 0 : i32
    %add3A_406 = arith.addi %mul3A_2, %add3A_405 : i32
    %dma_wait3A_407 = arith.constant 0 : i32
    %dma_wait3A_408 = tpu.memref_slice %arg9[%add3A_406, %dma_wait3A_407] : memref<16384x128xf32, #tpu.memory_space<hbm>> -> memref<64x128xf32, #tpu.memory_space<hbm>>
    %dma_wait3A_409 = arith.constant 0 : i32
    %dma_wait3A_410 = tpu.memref_slice %arg9[%add3A_406, %dma_wait3A_409] : memref<16384x128xf32, #tpu.memory_space<hbm>> -> memref<64x128xf32, #tpu.memory_space<hbm>>
    tpu.wait_dma2 semaphore(%arg26 : memref<!tpu.dma_semaphore, #tpu.memory_space<semaphore_mem>>) src(%arg14 : memref<64x128xf32, #tpu.memory_space<vmem>>) dst(%dma_wait3A_410 : memref<64x128xf32, #tpu.memory_space<hbm>>)
    %dma_start3A_411 = arith.constant 4 : i32
    %dma_start3A_412 = arith.constant 0 : i32
    %dma_start3A_413 = tpu.memref_slice %arg12[%dma_start3A_411, %dma_start3A_412] : memref<8x64xi32, #tpu.memory_space<vmem>> -> memref<1x64xi32, #tpu.memory_space<vmem>>
    %dma_start3A_414 = tpu.memref_squeeze %dma_start3A_413 : memref<1x64xi32, #tpu.memory_space<vmem>> -> memref<64xi32, #tpu.memory_space<vmem>>
    %dma_start3A_415 = arith.constant 0 : i32
    %dma_start3A_416 = arith.constant 0 : i32
    %dma_start3A_417 = tpu.memref_slice %arg6[%dma_start3A_415, %dma_start3A_416] : memref<1000000x128xf32, #tpu.memory_space<hbm>> -> memref<1000000x128xf32, #tpu.memory_space<hbm>>
    tpu.enqueue_indirect_dma source(%dma_start3A_417 : memref<1000000x128xf32, #tpu.memory_space<hbm>>) target(%arg14 : memref<64x128xf32, #tpu.memory_space<vmem>>) offsets(%dma_start3A_414 : memref<64xi32, #tpu.memory_space<vmem>>) semaphore(%arg22 : memref<!tpu.dma_semaphore, #tpu.memory_space<semaphore_mem>>)
    %add3A_418 = arith.constant 64 : i32
    %add3A_419 = arith.addi %mul3A_2, %add3A_418 : i32
    %dma_wait3A_420 = arith.constant 0 : i32
    %dma_wait3A_421 = tpu.memref_slice %arg9[%add3A_419, %dma_wait3A_420] : memref<16384x128xf32, #tpu.memory_space<hbm>> -> memref<64x128xf32, #tpu.memory_space<hbm>>
    %dma_wait3A_422 = arith.constant 0 : i32
    %dma_wait3A_423 = tpu.memref_slice %arg9[%add3A_419, %dma_wait3A_422] : memref<16384x128xf32, #tpu.memory_space<hbm>> -> memref<64x128xf32, #tpu.memory_space<hbm>>
    tpu.wait_dma2 semaphore(%arg27 : memref<!tpu.dma_semaphore, #tpu.memory_space<semaphore_mem>>) src(%arg15 : memref<64x128xf32, #tpu.memory_space<vmem>>) dst(%dma_wait3A_423 : memref<64x128xf32, #tpu.memory_space<hbm>>)
    %dma_start3A_424 = arith.constant 5 : i32
    %dma_start3A_425 = arith.constant 0 : i32
    %dma_start3A_426 = tpu.memref_slice %arg12[%dma_start3A_424, %dma_start3A_425] : memref<8x64xi32, #tpu.memory_space<vmem>> -> memref<1x64xi32, #tpu.memory_space<vmem>>
    %dma_start3A_427 = tpu.memref_squeeze %dma_start3A_426 : memref<1x64xi32, #tpu.memory_space<vmem>> -> memref<64xi32, #tpu.memory_space<vmem>>
    %dma_start3A_428 = arith.constant 0 : i32
    %dma_start3A_429 = arith.constant 0 : i32
    %dma_start3A_430 = tpu.memref_slice %arg6[%dma_start3A_428, %dma_start3A_429] : memref<1000000x128xf32, #tpu.memory_space<hbm>> -> memref<1000000x128xf32, #tpu.memory_space<hbm>>
    tpu.enqueue_indirect_dma source(%dma_start3A_430 : memref<1000000x128xf32, #tpu.memory_space<hbm>>) target(%arg15 : memref<64x128xf32, #tpu.memory_space<vmem>>) offsets(%dma_start3A_427 : memref<64xi32, #tpu.memory_space<vmem>>) semaphore(%arg23 : memref<!tpu.dma_semaphore, #tpu.memory_space<semaphore_mem>>)
    %add3A_431 = arith.constant 128 : i32
    %add3A_432 = arith.addi %mul3A_2, %add3A_431 : i32
    %dma_wait3A_433 = arith.constant 0 : i32
    %dma_wait3A_434 = tpu.memref_slice %arg9[%add3A_432, %dma_wait3A_433] : memref<16384x128xf32, #tpu.memory_space<hbm>> -> memref<64x128xf32, #tpu.memory_space<hbm>>
    %dma_wait3A_435 = arith.constant 0 : i32
    %dma_wait3A_436 = tpu.memref_slice %arg9[%add3A_432, %dma_wait3A_435] : memref<16384x128xf32, #tpu.memory_space<hbm>> -> memref<64x128xf32, #tpu.memory_space<hbm>>
    tpu.wait_dma2 semaphore(%arg28 : memref<!tpu.dma_semaphore, #tpu.memory_space<semaphore_mem>>) src(%arg16 : memref<64x128xf32, #tpu.memory_space<vmem>>) dst(%dma_wait3A_436 : memref<64x128xf32, #tpu.memory_space<hbm>>)
    %dma_start3A_437 = arith.constant 6 : i32
    %dma_start3A_438 = arith.constant 0 : i32
    %dma_start3A_439 = tpu.memref_slice %arg12[%dma_start3A_437, %dma_start3A_438] : memref<8x64xi32, #tpu.memory_space<vmem>> -> memref<1x64xi32, #tpu.memory_space<vmem>>
    %dma_start3A_440 = tpu.memref_squeeze %dma_start3A_439 : memref<1x64xi32, #tpu.memory_space<vmem>> -> memref<64xi32, #tpu.memory_space<vmem>>
    %dma_start3A_441 = arith.constant 0 : i32
    %dma_start3A_442 = arith.constant 0 : i32
    %dma_start3A_443 = tpu.memref_slice %arg6[%dma_start3A_441, %dma_start3A_442] : memref<1000000x128xf32, #tpu.memory_space<hbm>> -> memref<1000000x128xf32, #tpu.memory_space<hbm>>
    tpu.enqueue_indirect_dma source(%dma_start3A_443 : memref<1000000x128xf32, #tpu.memory_space<hbm>>) target(%arg16 : memref<64x128xf32, #tpu.memory_space<vmem>>) offsets(%dma_start3A_440 : memref<64xi32, #tpu.memory_space<vmem>>) semaphore(%arg24 : memref<!tpu.dma_semaphore, #tpu.memory_space<semaphore_mem>>)
    %add3A_444 = arith.constant 192 : i32
    %add3A_445 = arith.addi %mul3A_2, %add3A_444 : i32
    %dma_wait3A_446 = arith.constant 0 : i32
    %dma_wait3A_447 = tpu.memref_slice %arg9[%add3A_445, %dma_wait3A_446] : memref<16384x128xf32, #tpu.memory_space<hbm>> -> memref<64x128xf32, #tpu.memory_space<hbm>>
    %dma_wait3A_448 = arith.constant 0 : i32
    %dma_wait3A_449 = tpu.memref_slice %arg9[%add3A_445, %dma_wait3A_448] : memref<16384x128xf32, #tpu.memory_space<hbm>> -> memref<64x128xf32, #tpu.memory_space<hbm>>
    tpu.wait_dma2 semaphore(%arg29 : memref<!tpu.dma_semaphore, #tpu.memory_space<semaphore_mem>>) src(%arg17 : memref<64x128xf32, #tpu.memory_space<vmem>>) dst(%dma_wait3A_449 : memref<64x128xf32, #tpu.memory_space<hbm>>)
    %dma_start3A_450 = arith.constant 7 : i32
    %dma_start3A_451 = arith.constant 0 : i32
    %dma_start3A_452 = tpu.memref_slice %arg12[%dma_start3A_450, %dma_start3A_451] : memref<8x64xi32, #tpu.memory_space<vmem>> -> memref<1x64xi32, #tpu.memory_space<vmem>>
    %dma_start3A_453 = tpu.memref_squeeze %dma_start3A_452 : memref<1x64xi32, #tpu.memory_space<vmem>> -> memref<64xi32, #tpu.memory_space<vmem>>
    %dma_start3A_454 = arith.constant 0 : i32
    %dma_start3A_455 = arith.constant 0 : i32
    %dma_start3A_456 = tpu.memref_slice %arg6[%dma_start3A_454, %dma_start3A_455] : memref<1000000x128xf32, #tpu.memory_space<hbm>> -> memref<1000000x128xf32, #tpu.memory_space<hbm>>
    tpu.enqueue_indirect_dma source(%dma_start3A_456 : memref<1000000x128xf32, #tpu.memory_space<hbm>>) target(%arg17 : memref<64x128xf32, #tpu.memory_space<vmem>>) offsets(%dma_start3A_453 : memref<64xi32, #tpu.memory_space<vmem>>) semaphore(%arg25 : memref<!tpu.dma_semaphore, #tpu.memory_space<semaphore_mem>>)
    %dma_wait3A_457 = arith.constant 4 : i32
    %dma_wait3A_458 = arith.constant 0 : i32
    %dma_wait3A_459 = tpu.memref_slice %arg12[%dma_wait3A_457, %dma_wait3A_458] : memref<8x64xi32, #tpu.memory_space<vmem>> -> memref<1x64xi32, #tpu.memory_space<vmem>>
    %dma_wait3A_460 = tpu.memref_squeeze %dma_wait3A_459 : memref<1x64xi32, #tpu.memory_space<vmem>> -> memref<64xi32, #tpu.memory_space<vmem>>
    %dma_wait3A_461 = arith.constant 0 : i32
    %dma_wait3A_462 = arith.constant 0 : i32
    %dma_wait3A_463 = tpu.memref_slice %arg6[%dma_wait3A_461, %dma_wait3A_462] : memref<1000000x128xf32, #tpu.memory_space<hbm>> -> memref<1000000x128xf32, #tpu.memory_space<hbm>>
    tpu.wait_indirect_dma semaphore(%arg22 : memref<!tpu.dma_semaphore, #tpu.memory_space<semaphore_mem>>) src(%dma_wait3A_463 : memref<1000000x128xf32, #tpu.memory_space<hbm>>) dst(%arg14 : memref<64x128xf32, #tpu.memory_space<vmem>>)
    %add3A_464 = arith.constant 256 : i32
    %add3A_465 = arith.addi %mul3A_2, %add3A_464 : i32
    %dma_start3A_466 = arith.constant 0 : i32
    %dma_start3A_467 = tpu.memref_slice %arg9[%add3A_465, %dma_start3A_466] : memref<16384x128xf32, #tpu.memory_space<hbm>> -> memref<64x128xf32, #tpu.memory_space<hbm>>
    %dma_start3A_468 = arith.constant 0 : i32
    %dma_start3A_469 = tpu.memref_slice %arg9[%add3A_465, %dma_start3A_468] : memref<16384x128xf32, #tpu.memory_space<hbm>> -> memref<64x128xf32, #tpu.memory_space<hbm>>
    tpu.enqueue_dma source(%arg14 : memref<64x128xf32, #tpu.memory_space<vmem>>) target(%dma_start3A_469 : memref<64x128xf32, #tpu.memory_space<hbm>>) target_semaphore(%arg26 : memref<!tpu.dma_semaphore, #tpu.memory_space<semaphore_mem>>)
    %dma_wait3A_470 = arith.constant 5 : i32
    %dma_wait3A_471 = arith.constant 0 : i32
    %dma_wait3A_472 = tpu.memref_slice %arg12[%dma_wait3A_470, %dma_wait3A_471] : memref<8x64xi32, #tpu.memory_space<vmem>> -> memref<1x64xi32, #tpu.memory_space<vmem>>
    %dma_wait3A_473 = tpu.memref_squeeze %dma_wait3A_472 : memref<1x64xi32, #tpu.memory_space<vmem>> -> memref<64xi32, #tpu.memory_space<vmem>>
    %dma_wait3A_474 = arith.constant 0 : i32
    %dma_wait3A_475 = arith.constant 0 : i32
    %dma_wait3A_476 = tpu.memref_slice %arg6[%dma_wait3A_474, %dma_wait3A_475] : memref<1000000x128xf32, #tpu.memory_space<hbm>> -> memref<1000000x128xf32, #tpu.memory_space<hbm>>
    tpu.wait_indirect_dma semaphore(%arg23 : memref<!tpu.dma_semaphore, #tpu.memory_space<semaphore_mem>>) src(%dma_wait3A_476 : memref<1000000x128xf32, #tpu.memory_space<hbm>>) dst(%arg15 : memref<64x128xf32, #tpu.memory_space<vmem>>)
    %add3A_477 = arith.constant 320 : i32
    %add3A_478 = arith.addi %mul3A_2, %add3A_477 : i32
    %dma_start3A_479 = arith.constant 0 : i32
    %dma_start3A_480 = tpu.memref_slice %arg9[%add3A_478, %dma_start3A_479] : memref<16384x128xf32, #tpu.memory_space<hbm>> -> memref<64x128xf32, #tpu.memory_space<hbm>>
    %dma_start3A_481 = arith.constant 0 : i32
    %dma_start3A_482 = tpu.memref_slice %arg9[%add3A_478, %dma_start3A_481] : memref<16384x128xf32, #tpu.memory_space<hbm>> -> memref<64x128xf32, #tpu.memory_space<hbm>>
    tpu.enqueue_dma source(%arg15 : memref<64x128xf32, #tpu.memory_space<vmem>>) target(%dma_start3A_482 : memref<64x128xf32, #tpu.memory_space<hbm>>) target_semaphore(%arg27 : memref<!tpu.dma_semaphore, #tpu.memory_space<semaphore_mem>>)
    %dma_wait3A_483 = arith.constant 6 : i32
    %dma_wait3A_484 = arith.constant 0 : i32
    %dma_wait3A_485 = tpu.memref_slice %arg12[%dma_wait3A_483, %dma_wait3A_484] : memref<8x64xi32, #tpu.memory_space<vmem>> -> memref<1x64xi32, #tpu.memory_space<vmem>>
    %dma_wait3A_486 = tpu.memref_squeeze %dma_wait3A_485 : memref<1x64xi32, #tpu.memory_space<vmem>> -> memref<64xi32, #tpu.memory_space<vmem>>
    %dma_wait3A_487 = arith.constant 0 : i32
    %dma_wait3A_488 = arith.constant 0 : i32
    %dma_wait3A_489 = tpu.memref_slice %arg6[%dma_wait3A_487, %dma_wait3A_488] : memref<1000000x128xf32, #tpu.memory_space<hbm>> -> memref<1000000x128xf32, #tpu.memory_space<hbm>>
    tpu.wait_indirect_dma semaphore(%arg24 : memref<!tpu.dma_semaphore, #tpu.memory_space<semaphore_mem>>) src(%dma_wait3A_489 : memref<1000000x128xf32, #tpu.memory_space<hbm>>) dst(%arg16 : memref<64x128xf32, #tpu.memory_space<vmem>>)
    %add3A_490 = arith.constant 384 : i32
    %add3A_491 = arith.addi %mul3A_2, %add3A_490 : i32
    %dma_start3A_492 = arith.constant 0 : i32
    %dma_start3A_493 = tpu.memref_slice %arg9[%add3A_491, %dma_start3A_492] : memref<16384x128xf32, #tpu.memory_space<hbm>> -> memref<64x128xf32, #tpu.memory_space<hbm>>
    %dma_start3A_494 = arith.constant 0 : i32
    %dma_start3A_495 = tpu.memref_slice %arg9[%add3A_491, %dma_start3A_494] : memref<16384x128xf32, #tpu.memory_space<hbm>> -> memref<64x128xf32, #tpu.memory_space<hbm>>
    tpu.enqueue_dma source(%arg16 : memref<64x128xf32, #tpu.memory_space<vmem>>) target(%dma_start3A_495 : memref<64x128xf32, #tpu.memory_space<hbm>>) target_semaphore(%arg28 : memref<!tpu.dma_semaphore, #tpu.memory_space<semaphore_mem>>)
    %dma_wait3A_496 = arith.constant 7 : i32
    %dma_wait3A_497 = arith.constant 0 : i32
    %dma_wait3A_498 = tpu.memref_slice %arg12[%dma_wait3A_496, %dma_wait3A_497] : memref<8x64xi32, #tpu.memory_space<vmem>> -> memref<1x64xi32, #tpu.memory_space<vmem>>
    %dma_wait3A_499 = tpu.memref_squeeze %dma_wait3A_498 : memref<1x64xi32, #tpu.memory_space<vmem>> -> memref<64xi32, #tpu.memory_space<vmem>>
    %dma_wait3A_500 = arith.constant 0 : i32
    %dma_wait3A_501 = arith.constant 0 : i32
    %dma_wait3A_502 = tpu.memref_slice %arg6[%dma_wait3A_500, %dma_wait3A_501] : memref<1000000x128xf32, #tpu.memory_space<hbm>> -> memref<1000000x128xf32, #tpu.memory_space<hbm>>
    tpu.wait_indirect_dma semaphore(%arg25 : memref<!tpu.dma_semaphore, #tpu.memory_space<semaphore_mem>>) src(%dma_wait3A_502 : memref<1000000x128xf32, #tpu.memory_space<hbm>>) dst(%arg17 : memref<64x128xf32, #tpu.memory_space<vmem>>)
    %add3A_503 = arith.constant 448 : i32
    %add3A_504 = arith.addi %mul3A_2, %add3A_503 : i32
    %dma_start3A_505 = arith.constant 0 : i32
    %dma_start3A_506 = tpu.memref_slice %arg9[%add3A_504, %dma_start3A_505] : memref<16384x128xf32, #tpu.memory_space<hbm>> -> memref<64x128xf32, #tpu.memory_space<hbm>>
    %dma_start3A_507 = arith.constant 0 : i32
    %dma_start3A_508 = tpu.memref_slice %arg9[%add3A_504, %dma_start3A_507] : memref<16384x128xf32, #tpu.memory_space<hbm>> -> memref<64x128xf32, #tpu.memory_space<hbm>>
    tpu.enqueue_dma source(%arg17 : memref<64x128xf32, #tpu.memory_space<vmem>>) target(%dma_start3A_508 : memref<64x128xf32, #tpu.memory_space<hbm>>) target_semaphore(%arg29 : memref<!tpu.dma_semaphore, #tpu.memory_space<semaphore_mem>>)
    %add3A_509 = arith.constant 256 : i32
    %add3A_510 = arith.addi %mul3A_2, %add3A_509 : i32
    %dma_wait3A_511 = arith.constant 0 : i32
    %dma_wait3A_512 = tpu.memref_slice %arg9[%add3A_510, %dma_wait3A_511] : memref<16384x128xf32, #tpu.memory_space<hbm>> -> memref<64x128xf32, #tpu.memory_space<hbm>>
    %dma_wait3A_513 = arith.constant 0 : i32
    %dma_wait3A_514 = tpu.memref_slice %arg9[%add3A_510, %dma_wait3A_513] : memref<16384x128xf32, #tpu.memory_space<hbm>> -> memref<64x128xf32, #tpu.memory_space<hbm>>
    tpu.wait_dma2 semaphore(%arg26 : memref<!tpu.dma_semaphore, #tpu.memory_space<semaphore_mem>>) src(%arg14 : memref<64x128xf32, #tpu.memory_space<vmem>>) dst(%dma_wait3A_514 : memref<64x128xf32, #tpu.memory_space<hbm>>)
    %add3A_515 = arith.constant 320 : i32
    %add3A_516 = arith.addi %mul3A_2, %add3A_515 : i32
    %dma_wait3A_517 = arith.constant 0 : i32
    %dma_wait3A_518 = tpu.memref_slice %arg9[%add3A_516, %dma_wait3A_517] : memref<16384x128xf32, #tpu.memory_space<hbm>> -> memref<64x128xf32, #tpu.memory_space<hbm>>
    %dma_wait3A_519 = arith.constant 0 : i32
    %dma_wait3A_520 = tpu.memref_slice %arg9[%add3A_516, %dma_wait3A_519] : memref<16384x128xf32, #tpu.memory_space<hbm>> -> memref<64x128xf32, #tpu.memory_space<hbm>>
    tpu.wait_dma2 semaphore(%arg27 : memref<!tpu.dma_semaphore, #tpu.memory_space<semaphore_mem>>) src(%arg15 : memref<64x128xf32, #tpu.memory_space<vmem>>) dst(%dma_wait3A_520 : memref<64x128xf32, #tpu.memory_space<hbm>>)
    %add3A_521 = arith.constant 384 : i32
    %add3A_522 = arith.addi %mul3A_2, %add3A_521 : i32
    %dma_wait3A_523 = arith.constant 0 : i32
    %dma_wait3A_524 = tpu.memref_slice %arg9[%add3A_522, %dma_wait3A_523] : memref<16384x128xf32, #tpu.memory_space<hbm>> -> memref<64x128xf32, #tpu.memory_space<hbm>>
    %dma_wait3A_525 = arith.constant 0 : i32
    %dma_wait3A_526 = tpu.memref_slice %arg9[%add3A_522, %dma_wait3A_525] : memref<16384x128xf32, #tpu.memory_space<hbm>> -> memref<64x128xf32, #tpu.memory_space<hbm>>
    tpu.wait_dma2 semaphore(%arg28 : memref<!tpu.dma_semaphore, #tpu.memory_space<semaphore_mem>>) src(%arg16 : memref<64x128xf32, #tpu.memory_space<vmem>>) dst(%dma_wait3A_526 : memref<64x128xf32, #tpu.memory_space<hbm>>)
    %add3A_527 = arith.constant 448 : i32
    %add3A_528 = arith.addi %mul3A_2, %add3A_527 : i32
    %dma_wait3A_529 = arith.constant 0 : i32
    %dma_wait3A_530 = tpu.memref_slice %arg9[%add3A_528, %dma_wait3A_529] : memref<16384x128xf32, #tpu.memory_space<hbm>> -> memref<64x128xf32, #tpu.memory_space<hbm>>
    %dma_wait3A_531 = arith.constant 0 : i32
    %dma_wait3A_532 = tpu.memref_slice %arg9[%add3A_528, %dma_wait3A_531] : memref<16384x128xf32, #tpu.memory_space<hbm>> -> memref<64x128xf32, #tpu.memory_space<hbm>>
    tpu.wait_dma2 semaphore(%arg29 : memref<!tpu.dma_semaphore, #tpu.memory_space<semaphore_mem>>) src(%arg17 : memref<64x128xf32, #tpu.memory_space<vmem>>) dst(%dma_wait3A_532 : memref<64x128xf32, #tpu.memory_space<hbm>>)
    %dma_wait3A_533 = arith.constant 0 : i32
    %dma_wait3A_534 = arith.constant 0 : i32
    %dma_wait3A_535 = arith.constant 0 : i32
    %dma_wait3A_536 = tpu.memref_slice %arg18[%dma_wait3A_534, %dma_wait3A_535] : memref<512x128xf32, #tpu.memory_space<vmem>> -> memref<64x128xf32, #tpu.memory_space<vmem>>
    %dma_wait3A_537 = arith.constant 0 : i32
    %dma_wait3A_538 = tpu.memref_slice %arg13[%dma_wait3A_533, %dma_wait3A_537] : memref<208x64xi32, #tpu.memory_space<vmem>> -> memref<1x64xi32, #tpu.memory_space<vmem>>
    %dma_wait3A_539 = tpu.memref_squeeze %dma_wait3A_538 : memref<1x64xi32, #tpu.memory_space<vmem>> -> memref<64xi32, #tpu.memory_space<vmem>>
    %dma_wait3A_540 = arith.constant 0 : i32
    %dma_wait3A_541 = arith.constant 0 : i32
    %dma_wait3A_542 = tpu.memref_slice %arg7[%dma_wait3A_540, %dma_wait3A_541] : memref<100000x128xf32, #tpu.memory_space<hbm>> -> memref<100000x128xf32, #tpu.memory_space<hbm>>
    tpu.wait_indirect_dma semaphore(%arg30 : memref<!tpu.dma_semaphore, #tpu.memory_space<semaphore_mem>>) src(%dma_wait3A_542 : memref<100000x128xf32, #tpu.memory_space<hbm>>) dst(%dma_wait3A_536 : memref<64x128xf32, #tpu.memory_space<vmem>>)
    %dma_wait3A_543 = arith.constant 1 : i32
    %dma_wait3A_544 = arith.constant 64 : i32
    %dma_wait3A_545 = arith.constant 0 : i32
    %dma_wait3A_546 = tpu.memref_slice %arg18[%dma_wait3A_544, %dma_wait3A_545] : memref<512x128xf32, #tpu.memory_space<vmem>> -> memref<64x128xf32, #tpu.memory_space<vmem>>
    %dma_wait3A_547 = arith.constant 0 : i32
    %dma_wait3A_548 = tpu.memref_slice %arg13[%dma_wait3A_543, %dma_wait3A_547] : memref<208x64xi32, #tpu.memory_space<vmem>> -> memref<1x64xi32, #tpu.memory_space<vmem>>
    %dma_wait3A_549 = tpu.memref_squeeze %dma_wait3A_548 : memref<1x64xi32, #tpu.memory_space<vmem>> -> memref<64xi32, #tpu.memory_space<vmem>>
    %dma_wait3A_550 = arith.constant 0 : i32
    %dma_wait3A_551 = arith.constant 0 : i32
    %dma_wait3A_552 = tpu.memref_slice %arg7[%dma_wait3A_550, %dma_wait3A_551] : memref<100000x128xf32, #tpu.memory_space<hbm>> -> memref<100000x128xf32, #tpu.memory_space<hbm>>
    tpu.wait_indirect_dma semaphore(%arg31 : memref<!tpu.dma_semaphore, #tpu.memory_space<semaphore_mem>>) src(%dma_wait3A_552 : memref<100000x128xf32, #tpu.memory_space<hbm>>) dst(%dma_wait3A_546 : memref<64x128xf32, #tpu.memory_space<vmem>>)
    %dma_wait3A_553 = arith.constant 2 : i32
    %dma_wait3A_554 = arith.constant 128 : i32
    %dma_wait3A_555 = arith.constant 0 : i32
    %dma_wait3A_556 = tpu.memref_slice %arg18[%dma_wait3A_554, %dma_wait3A_555] : memref<512x128xf32, #tpu.memory_space<vmem>> -> memref<64x128xf32, #tpu.memory_space<vmem>>
    %dma_wait3A_557 = arith.constant 0 : i32
    %dma_wait3A_558 = tpu.memref_slice %arg13[%dma_wait3A_553, %dma_wait3A_557] : memref<208x64xi32, #tpu.memory_space<vmem>> -> memref<1x64xi32, #tpu.memory_space<vmem>>
    %dma_wait3A_559 = tpu.memref_squeeze %dma_wait3A_558 : memref<1x64xi32, #tpu.memory_space<vmem>> -> memref<64xi32, #tpu.memory_space<vmem>>
    %dma_wait3A_560 = arith.constant 0 : i32
    %dma_wait3A_561 = arith.constant 0 : i32
    %dma_wait3A_562 = tpu.memref_slice %arg7[%dma_wait3A_560, %dma_wait3A_561] : memref<100000x128xf32, #tpu.memory_space<hbm>> -> memref<100000x128xf32, #tpu.memory_space<hbm>>
    tpu.wait_indirect_dma semaphore(%arg32 : memref<!tpu.dma_semaphore, #tpu.memory_space<semaphore_mem>>) src(%dma_wait3A_562 : memref<100000x128xf32, #tpu.memory_space<hbm>>) dst(%dma_wait3A_556 : memref<64x128xf32, #tpu.memory_space<vmem>>)
    %dma_wait3A_563 = arith.constant 3 : i32
    %dma_wait3A_564 = arith.constant 192 : i32
    %dma_wait3A_565 = arith.constant 0 : i32
    %dma_wait3A_566 = tpu.memref_slice %arg18[%dma_wait3A_564, %dma_wait3A_565] : memref<512x128xf32, #tpu.memory_space<vmem>> -> memref<64x128xf32, #tpu.memory_space<vmem>>
    %dma_wait3A_567 = arith.constant 0 : i32
    %dma_wait3A_568 = tpu.memref_slice %arg13[%dma_wait3A_563, %dma_wait3A_567] : memref<208x64xi32, #tpu.memory_space<vmem>> -> memref<1x64xi32, #tpu.memory_space<vmem>>
    %dma_wait3A_569 = tpu.memref_squeeze %dma_wait3A_568 : memref<1x64xi32, #tpu.memory_space<vmem>> -> memref<64xi32, #tpu.memory_space<vmem>>
    %dma_wait3A_570 = arith.constant 0 : i32
    %dma_wait3A_571 = arith.constant 0 : i32
    %dma_wait3A_572 = tpu.memref_slice %arg7[%dma_wait3A_570, %dma_wait3A_571] : memref<100000x128xf32, #tpu.memory_space<hbm>> -> memref<100000x128xf32, #tpu.memory_space<hbm>>
    tpu.wait_indirect_dma semaphore(%arg33 : memref<!tpu.dma_semaphore, #tpu.memory_space<semaphore_mem>>) src(%dma_wait3A_572 : memref<100000x128xf32, #tpu.memory_space<hbm>>) dst(%dma_wait3A_566 : memref<64x128xf32, #tpu.memory_space<vmem>>)
    %dma_wait3A_573 = arith.constant 4 : i32
    %dma_wait3A_574 = arith.constant 256 : i32
    %dma_wait3A_575 = arith.constant 0 : i32
    %dma_wait3A_576 = tpu.memref_slice %arg18[%dma_wait3A_574, %dma_wait3A_575] : memref<512x128xf32, #tpu.memory_space<vmem>> -> memref<64x128xf32, #tpu.memory_space<vmem>>
    %dma_wait3A_577 = arith.constant 0 : i32
    %dma_wait3A_578 = tpu.memref_slice %arg13[%dma_wait3A_573, %dma_wait3A_577] : memref<208x64xi32, #tpu.memory_space<vmem>> -> memref<1x64xi32, #tpu.memory_space<vmem>>
    %dma_wait3A_579 = tpu.memref_squeeze %dma_wait3A_578 : memref<1x64xi32, #tpu.memory_space<vmem>> -> memref<64xi32, #tpu.memory_space<vmem>>
    %dma_wait3A_580 = arith.constant 0 : i32
    %dma_wait3A_581 = arith.constant 0 : i32
    %dma_wait3A_582 = tpu.memref_slice %arg7[%dma_wait3A_580, %dma_wait3A_581] : memref<100000x128xf32, #tpu.memory_space<hbm>> -> memref<100000x128xf32, #tpu.memory_space<hbm>>
    tpu.wait_indirect_dma semaphore(%arg34 : memref<!tpu.dma_semaphore, #tpu.memory_space<semaphore_mem>>) src(%dma_wait3A_582 : memref<100000x128xf32, #tpu.memory_space<hbm>>) dst(%dma_wait3A_576 : memref<64x128xf32, #tpu.memory_space<vmem>>)
    %dma_wait3A_583 = arith.constant 5 : i32
    %dma_wait3A_584 = arith.constant 320 : i32
    %dma_wait3A_585 = arith.constant 0 : i32
    %dma_wait3A_586 = tpu.memref_slice %arg18[%dma_wait3A_584, %dma_wait3A_585] : memref<512x128xf32, #tpu.memory_space<vmem>> -> memref<64x128xf32, #tpu.memory_space<vmem>>
    %dma_wait3A_587 = arith.constant 0 : i32
    %dma_wait3A_588 = tpu.memref_slice %arg13[%dma_wait3A_583, %dma_wait3A_587] : memref<208x64xi32, #tpu.memory_space<vmem>> -> memref<1x64xi32, #tpu.memory_space<vmem>>
    %dma_wait3A_589 = tpu.memref_squeeze %dma_wait3A_588 : memref<1x64xi32, #tpu.memory_space<vmem>> -> memref<64xi32, #tpu.memory_space<vmem>>
    %dma_wait3A_590 = arith.constant 0 : i32
    %dma_wait3A_591 = arith.constant 0 : i32
    %dma_wait3A_592 = tpu.memref_slice %arg7[%dma_wait3A_590, %dma_wait3A_591] : memref<100000x128xf32, #tpu.memory_space<hbm>> -> memref<100000x128xf32, #tpu.memory_space<hbm>>
    tpu.wait_indirect_dma semaphore(%arg35 : memref<!tpu.dma_semaphore, #tpu.memory_space<semaphore_mem>>) src(%dma_wait3A_592 : memref<100000x128xf32, #tpu.memory_space<hbm>>) dst(%dma_wait3A_586 : memref<64x128xf32, #tpu.memory_space<vmem>>)
    %dma_wait3A_593 = arith.constant 6 : i32
    %dma_wait3A_594 = arith.constant 384 : i32
    %dma_wait3A_595 = arith.constant 0 : i32
    %dma_wait3A_596 = tpu.memref_slice %arg18[%dma_wait3A_594, %dma_wait3A_595] : memref<512x128xf32, #tpu.memory_space<vmem>> -> memref<64x128xf32, #tpu.memory_space<vmem>>
    %dma_wait3A_597 = arith.constant 0 : i32
    %dma_wait3A_598 = tpu.memref_slice %arg13[%dma_wait3A_593, %dma_wait3A_597] : memref<208x64xi32, #tpu.memory_space<vmem>> -> memref<1x64xi32, #tpu.memory_space<vmem>>
    %dma_wait3A_599 = tpu.memref_squeeze %dma_wait3A_598 : memref<1x64xi32, #tpu.memory_space<vmem>> -> memref<64xi32, #tpu.memory_space<vmem>>
    %dma_wait3A_600 = arith.constant 0 : i32
    %dma_wait3A_601 = arith.constant 0 : i32
    %dma_wait3A_602 = tpu.memref_slice %arg7[%dma_wait3A_600, %dma_wait3A_601] : memref<100000x128xf32, #tpu.memory_space<hbm>> -> memref<100000x128xf32, #tpu.memory_space<hbm>>
    tpu.wait_indirect_dma semaphore(%arg36 : memref<!tpu.dma_semaphore, #tpu.memory_space<semaphore_mem>>) src(%dma_wait3A_602 : memref<100000x128xf32, #tpu.memory_space<hbm>>) dst(%dma_wait3A_596 : memref<64x128xf32, #tpu.memory_space<vmem>>)
    %dma_wait3A_603 = arith.constant 7 : i32
    %dma_wait3A_604 = arith.constant 448 : i32
    %dma_wait3A_605 = arith.constant 0 : i32
    %dma_wait3A_606 = tpu.memref_slice %arg18[%dma_wait3A_604, %dma_wait3A_605] : memref<512x128xf32, #tpu.memory_space<vmem>> -> memref<64x128xf32, #tpu.memory_space<vmem>>
    %dma_wait3A_607 = arith.constant 0 : i32
    %dma_wait3A_608 = tpu.memref_slice %arg13[%dma_wait3A_603, %dma_wait3A_607] : memref<208x64xi32, #tpu.memory_space<vmem>> -> memref<1x64xi32, #tpu.memory_space<vmem>>
    %dma_wait3A_609 = tpu.memref_squeeze %dma_wait3A_608 : memref<1x64xi32, #tpu.memory_space<vmem>> -> memref<64xi32, #tpu.memory_space<vmem>>
    %dma_wait3A_610 = arith.constant 0 : i32
    %dma_wait3A_611 = arith.constant 0 : i32
    %dma_wait3A_612 = tpu.memref_slice %arg7[%dma_wait3A_610, %dma_wait3A_611] : memref<100000x128xf32, #tpu.memory_space<hbm>> -> memref<100000x128xf32, #tpu.memory_space<hbm>>
    tpu.wait_indirect_dma semaphore(%arg37 : memref<!tpu.dma_semaphore, #tpu.memory_space<semaphore_mem>>) src(%dma_wait3A_612 : memref<100000x128xf32, #tpu.memory_space<hbm>>) dst(%dma_wait3A_606 : memref<64x128xf32, #tpu.memory_space<vmem>>)
    %scan3A = arith.constant 0 : i32
    %scan3A_613 = arith.constant 1 : i32
    %scan3A_614 = arith.constant 25 : i32
    %scan3A_615 = arith.addi %scan3A_613, %scan3A_614 : i32
    %scan3A_616 = arith.constant 1 : i32
    %scan3A_617 = scf.for %scan3A_626 = %scan3A_613 to %scan3A_615 step %scan3A_616 iter_args(%scan3A_627 = %scan3A) -> (i32)  : i32 {
      %mul3A_628 = arith.constant 8 : i32
      %mul3A_629 = arith.muli %scan3A_626, %mul3A_628 : i32
      %add3A_630 = arith.constant 0 : i32
      %add3A_631 = arith.addi %mul3A_629, %add3A_630 : i32
      %dma_start3A_632 = arith.constant 0 : i32
      %dma_start3A_633 = arith.constant 0 : i32
      %dma_start3A_634 = tpu.memref_slice %arg18[%dma_start3A_632, %dma_start3A_633] : memref<512x128xf32, #tpu.memory_space<vmem>> -> memref<64x128xf32, #tpu.memory_space<vmem>>
      %dma_start3A_635 = arith.constant 0 : i32
      %dma_start3A_636 = tpu.memref_slice %arg13[%add3A_631, %dma_start3A_635] : memref<208x64xi32, #tpu.memory_space<vmem>> -> memref<1x64xi32, #tpu.memory_space<vmem>>
      %dma_start3A_637 = tpu.memref_squeeze %dma_start3A_636 : memref<1x64xi32, #tpu.memory_space<vmem>> -> memref<64xi32, #tpu.memory_space<vmem>>
      %dma_start3A_638 = arith.constant 0 : i32
      %dma_start3A_639 = arith.constant 0 : i32
      %dma_start3A_640 = tpu.memref_slice %arg7[%dma_start3A_638, %dma_start3A_639] : memref<100000x128xf32, #tpu.memory_space<hbm>> -> memref<100000x128xf32, #tpu.memory_space<hbm>>
      tpu.enqueue_indirect_dma source(%dma_start3A_640 : memref<100000x128xf32, #tpu.memory_space<hbm>>) target(%dma_start3A_634 : memref<64x128xf32, #tpu.memory_space<vmem>>) offsets(%dma_start3A_637 : memref<64xi32, #tpu.memory_space<vmem>>) semaphore(%arg30 : memref<!tpu.dma_semaphore, #tpu.memory_space<semaphore_mem>>) {add = true}
      %mul3A_641 = arith.constant 8 : i32
      %mul3A_642 = arith.muli %scan3A_626, %mul3A_641 : i32
      %add3A_643 = arith.constant 1 : i32
      %add3A_644 = arith.addi %mul3A_642, %add3A_643 : i32
      %dma_start3A_645 = arith.constant 64 : i32
      %dma_start3A_646 = arith.constant 0 : i32
      %dma_start3A_647 = tpu.memref_slice %arg18[%dma_start3A_645, %dma_start3A_646] : memref<512x128xf32, #tpu.memory_space<vmem>> -> memref<64x128xf32, #tpu.memory_space<vmem>>
      %dma_start3A_648 = arith.constant 0 : i32
      %dma_start3A_649 = tpu.memref_slice %arg13[%add3A_644, %dma_start3A_648] : memref<208x64xi32, #tpu.memory_space<vmem>> -> memref<1x64xi32, #tpu.memory_space<vmem>>
      %dma_start3A_650 = tpu.memref_squeeze %dma_start3A_649 : memref<1x64xi32, #tpu.memory_space<vmem>> -> memref<64xi32, #tpu.memory_space<vmem>>
      %dma_start3A_651 = arith.constant 0 : i32
      %dma_start3A_652 = arith.constant 0 : i32
      %dma_start3A_653 = tpu.memref_slice %arg7[%dma_start3A_651, %dma_start3A_652] : memref<100000x128xf32, #tpu.memory_space<hbm>> -> memref<100000x128xf32, #tpu.memory_space<hbm>>
      tpu.enqueue_indirect_dma source(%dma_start3A_653 : memref<100000x128xf32, #tpu.memory_space<hbm>>) target(%dma_start3A_647 : memref<64x128xf32, #tpu.memory_space<vmem>>) offsets(%dma_start3A_650 : memref<64xi32, #tpu.memory_space<vmem>>) semaphore(%arg31 : memref<!tpu.dma_semaphore, #tpu.memory_space<semaphore_mem>>) {add = true}
      %mul3A_654 = arith.constant 8 : i32
      %mul3A_655 = arith.muli %scan3A_626, %mul3A_654 : i32
      %add3A_656 = arith.constant 2 : i32
      %add3A_657 = arith.addi %mul3A_655, %add3A_656 : i32
      %dma_start3A_658 = arith.constant 128 : i32
      %dma_start3A_659 = arith.constant 0 : i32
      %dma_start3A_660 = tpu.memref_slice %arg18[%dma_start3A_658, %dma_start3A_659] : memref<512x128xf32, #tpu.memory_space<vmem>> -> memref<64x128xf32, #tpu.memory_space<vmem>>
      %dma_start3A_661 = arith.constant 0 : i32
      %dma_start3A_662 = tpu.memref_slice %arg13[%add3A_657, %dma_start3A_661] : memref<208x64xi32, #tpu.memory_space<vmem>> -> memref<1x64xi32, #tpu.memory_space<vmem>>
      %dma_start3A_663 = tpu.memref_squeeze %dma_start3A_662 : memref<1x64xi32, #tpu.memory_space<vmem>> -> memref<64xi32, #tpu.memory_space<vmem>>
      %dma_start3A_664 = arith.constant 0 : i32
      %dma_start3A_665 = arith.constant 0 : i32
      %dma_start3A_666 = tpu.memref_slice %arg7[%dma_start3A_664, %dma_start3A_665] : memref<100000x128xf32, #tpu.memory_space<hbm>> -> memref<100000x128xf32, #tpu.memory_space<hbm>>
      tpu.enqueue_indirect_dma source(%dma_start3A_666 : memref<100000x128xf32, #tpu.memory_space<hbm>>) target(%dma_start3A_660 : memref<64x128xf32, #tpu.memory_space<vmem>>) offsets(%dma_start3A_663 : memref<64xi32, #tpu.memory_space<vmem>>) semaphore(%arg32 : memref<!tpu.dma_semaphore, #tpu.memory_space<semaphore_mem>>) {add = true}
      %mul3A_667 = arith.constant 8 : i32
      %mul3A_668 = arith.muli %scan3A_626, %mul3A_667 : i32
      %add3A_669 = arith.constant 3 : i32
      %add3A_670 = arith.addi %mul3A_668, %add3A_669 : i32
      %dma_start3A_671 = arith.constant 192 : i32
      %dma_start3A_672 = arith.constant 0 : i32
      %dma_start3A_673 = tpu.memref_slice %arg18[%dma_start3A_671, %dma_start3A_672] : memref<512x128xf32, #tpu.memory_space<vmem>> -> memref<64x128xf32, #tpu.memory_space<vmem>>
      %dma_start3A_674 = arith.constant 0 : i32
      %dma_start3A_675 = tpu.memref_slice %arg13[%add3A_670, %dma_start3A_674] : memref<208x64xi32, #tpu.memory_space<vmem>> -> memref<1x64xi32, #tpu.memory_space<vmem>>
      %dma_start3A_676 = tpu.memref_squeeze %dma_start3A_675 : memref<1x64xi32, #tpu.memory_space<vmem>> -> memref<64xi32, #tpu.memory_space<vmem>>
      %dma_start3A_677 = arith.constant 0 : i32
      %dma_start3A_678 = arith.constant 0 : i32
      %dma_start3A_679 = tpu.memref_slice %arg7[%dma_start3A_677, %dma_start3A_678] : memref<100000x128xf32, #tpu.memory_space<hbm>> -> memref<100000x128xf32, #tpu.memory_space<hbm>>
      tpu.enqueue_indirect_dma source(%dma_start3A_679 : memref<100000x128xf32, #tpu.memory_space<hbm>>) target(%dma_start3A_673 : memref<64x128xf32, #tpu.memory_space<vmem>>) offsets(%dma_start3A_676 : memref<64xi32, #tpu.memory_space<vmem>>) semaphore(%arg33 : memref<!tpu.dma_semaphore, #tpu.memory_space<semaphore_mem>>) {add = true}
      %mul3A_680 = arith.constant 8 : i32
      %mul3A_681 = arith.muli %scan3A_626, %mul3A_680 : i32
      %add3A_682 = arith.constant 4 : i32
      %add3A_683 = arith.addi %mul3A_681, %add3A_682 : i32
      %dma_start3A_684 = arith.constant 256 : i32
      %dma_start3A_685 = arith.constant 0 : i32
      %dma_start3A_686 = tpu.memref_slice %arg18[%dma_start3A_684, %dma_start3A_685] : memref<512x128xf32, #tpu.memory_space<vmem>> -> memref<64x128xf32, #tpu.memory_space<vmem>>
      %dma_start3A_687 = arith.constant 0 : i32
      %dma_start3A_688 = tpu.memref_slice %arg13[%add3A_683, %dma_start3A_687] : memref<208x64xi32, #tpu.memory_space<vmem>> -> memref<1x64xi32, #tpu.memory_space<vmem>>
      %dma_start3A_689 = tpu.memref_squeeze %dma_start3A_688 : memref<1x64xi32, #tpu.memory_space<vmem>> -> memref<64xi32, #tpu.memory_space<vmem>>
      %dma_start3A_690 = arith.constant 0 : i32
      %dma_start3A_691 = arith.constant 0 : i32
      %dma_start3A_692 = tpu.memref_slice %arg7[%dma_start3A_690, %dma_start3A_691] : memref<100000x128xf32, #tpu.memory_space<hbm>> -> memref<100000x128xf32, #tpu.memory_space<hbm>>
      tpu.enqueue_indirect_dma source(%dma_start3A_692 : memref<100000x128xf32, #tpu.memory_space<hbm>>) target(%dma_start3A_686 : memref<64x128xf32, #tpu.memory_space<vmem>>) offsets(%dma_start3A_689 : memref<64xi32, #tpu.memory_space<vmem>>) semaphore(%arg34 : memref<!tpu.dma_semaphore, #tpu.memory_space<semaphore_mem>>) {add = true}
      %mul3A_693 = arith.constant 8 : i32
      %mul3A_694 = arith.muli %scan3A_626, %mul3A_693 : i32
      %add3A_695 = arith.constant 5 : i32
      %add3A_696 = arith.addi %mul3A_694, %add3A_695 : i32
      %dma_start3A_697 = arith.constant 320 : i32
      %dma_start3A_698 = arith.constant 0 : i32
      %dma_start3A_699 = tpu.memref_slice %arg18[%dma_start3A_697, %dma_start3A_698] : memref<512x128xf32, #tpu.memory_space<vmem>> -> memref<64x128xf32, #tpu.memory_space<vmem>>
      %dma_start3A_700 = arith.constant 0 : i32
      %dma_start3A_701 = tpu.memref_slice %arg13[%add3A_696, %dma_start3A_700] : memref<208x64xi32, #tpu.memory_space<vmem>> -> memref<1x64xi32, #tpu.memory_space<vmem>>
      %dma_start3A_702 = tpu.memref_squeeze %dma_start3A_701 : memref<1x64xi32, #tpu.memory_space<vmem>> -> memref<64xi32, #tpu.memory_space<vmem>>
      %dma_start3A_703 = arith.constant 0 : i32
      %dma_start3A_704 = arith.constant 0 : i32
      %dma_start3A_705 = tpu.memref_slice %arg7[%dma_start3A_703, %dma_start3A_704] : memref<100000x128xf32, #tpu.memory_space<hbm>> -> memref<100000x128xf32, #tpu.memory_space<hbm>>
      tpu.enqueue_indirect_dma source(%dma_start3A_705 : memref<100000x128xf32, #tpu.memory_space<hbm>>) target(%dma_start3A_699 : memref<64x128xf32, #tpu.memory_space<vmem>>) offsets(%dma_start3A_702 : memref<64xi32, #tpu.memory_space<vmem>>) semaphore(%arg35 : memref<!tpu.dma_semaphore, #tpu.memory_space<semaphore_mem>>) {add = true}
      %mul3A_706 = arith.constant 8 : i32
      %mul3A_707 = arith.muli %scan3A_626, %mul3A_706 : i32
      %add3A_708 = arith.constant 6 : i32
      %add3A_709 = arith.addi %mul3A_707, %add3A_708 : i32
      %dma_start3A_710 = arith.constant 384 : i32
      %dma_start3A_711 = arith.constant 0 : i32
      %dma_start3A_712 = tpu.memref_slice %arg18[%dma_start3A_710, %dma_start3A_711] : memref<512x128xf32, #tpu.memory_space<vmem>> -> memref<64x128xf32, #tpu.memory_space<vmem>>
      %dma_start3A_713 = arith.constant 0 : i32
      %dma_start3A_714 = tpu.memref_slice %arg13[%add3A_709, %dma_start3A_713] : memref<208x64xi32, #tpu.memory_space<vmem>> -> memref<1x64xi32, #tpu.memory_space<vmem>>
      %dma_start3A_715 = tpu.memref_squeeze %dma_start3A_714 : memref<1x64xi32, #tpu.memory_space<vmem>> -> memref<64xi32, #tpu.memory_space<vmem>>
      %dma_start3A_716 = arith.constant 0 : i32
      %dma_start3A_717 = arith.constant 0 : i32
      %dma_start3A_718 = tpu.memref_slice %arg7[%dma_start3A_716, %dma_start3A_717] : memref<100000x128xf32, #tpu.memory_space<hbm>> -> memref<100000x128xf32, #tpu.memory_space<hbm>>
      tpu.enqueue_indirect_dma source(%dma_start3A_718 : memref<100000x128xf32, #tpu.memory_space<hbm>>) target(%dma_start3A_712 : memref<64x128xf32, #tpu.memory_space<vmem>>) offsets(%dma_start3A_715 : memref<64xi32, #tpu.memory_space<vmem>>) semaphore(%arg36 : memref<!tpu.dma_semaphore, #tpu.memory_space<semaphore_mem>>) {add = true}
      %mul3A_719 = arith.constant 8 : i32
      %mul3A_720 = arith.muli %scan3A_626, %mul3A_719 : i32
      %add3A_721 = arith.constant 7 : i32
      %add3A_722 = arith.addi %mul3A_720, %add3A_721 : i32
      %dma_start3A_723 = arith.constant 448 : i32
      %dma_start3A_724 = arith.constant 0 : i32
      %dma_start3A_725 = tpu.memref_slice %arg18[%dma_start3A_723, %dma_start3A_724] : memref<512x128xf32, #tpu.memory_space<vmem>> -> memref<64x128xf32, #tpu.memory_space<vmem>>
      %dma_start3A_726 = arith.constant 0 : i32
      %dma_start3A_727 = tpu.memref_slice %arg13[%add3A_722, %dma_start3A_726] : memref<208x64xi32, #tpu.memory_space<vmem>> -> memref<1x64xi32, #tpu.memory_space<vmem>>
      %dma_start3A_728 = tpu.memref_squeeze %dma_start3A_727 : memref<1x64xi32, #tpu.memory_space<vmem>> -> memref<64xi32, #tpu.memory_space<vmem>>
      %dma_start3A_729 = arith.constant 0 : i32
      %dma_start3A_730 = arith.constant 0 : i32
      %dma_start3A_731 = tpu.memref_slice %arg7[%dma_start3A_729, %dma_start3A_730] : memref<100000x128xf32, #tpu.memory_space<hbm>> -> memref<100000x128xf32, #tpu.memory_space<hbm>>
      tpu.enqueue_indirect_dma source(%dma_start3A_731 : memref<100000x128xf32, #tpu.memory_space<hbm>>) target(%dma_start3A_725 : memref<64x128xf32, #tpu.memory_space<vmem>>) offsets(%dma_start3A_728 : memref<64xi32, #tpu.memory_space<vmem>>) semaphore(%arg37 : memref<!tpu.dma_semaphore, #tpu.memory_space<semaphore_mem>>) {add = true}
      %scan3A_732 = arith.constant 0 : i32
      scf.yield %scan3A_732 : i32
    }
    %scan3A_618 = arith.constant 25 : i32
    %scan3A_619 = arith.constant 0 : i32
    %scan3A_620 = arith.constant 1 : i32
    %scan3A_621 = arith.constant 25 : i32
    %scan3A_622 = arith.addi %scan3A_620, %scan3A_621 : i32
    %scan3A_623 = arith.constant 1 : i32
    %scan3A_624 = scf.for %scan3A_626 = %scan3A_620 to %scan3A_622 step %scan3A_623 iter_args(%scan3A_627 = %scan3A_619) -> (i32)  : i32 {
      %dma_wait3A_628 = arith.constant 0 : i32
      %dma_wait3A_629 = arith.constant 0 : i32
      %dma_wait3A_630 = arith.constant 0 : i32
      %dma_wait3A_631 = tpu.memref_slice %arg18[%dma_wait3A_629, %dma_wait3A_630] : memref<512x128xf32, #tpu.memory_space<vmem>> -> memref<64x128xf32, #tpu.memory_space<vmem>>
      %dma_wait3A_632 = arith.constant 0 : i32
      %dma_wait3A_633 = tpu.memref_slice %arg13[%dma_wait3A_628, %dma_wait3A_632] : memref<208x64xi32, #tpu.memory_space<vmem>> -> memref<1x64xi32, #tpu.memory_space<vmem>>
      %dma_wait3A_634 = tpu.memref_squeeze %dma_wait3A_633 : memref<1x64xi32, #tpu.memory_space<vmem>> -> memref<64xi32, #tpu.memory_space<vmem>>
      %dma_wait3A_635 = arith.constant 0 : i32
      %dma_wait3A_636 = arith.constant 0 : i32
      %dma_wait3A_637 = tpu.memref_slice %arg7[%dma_wait3A_635, %dma_wait3A_636] : memref<100000x128xf32, #tpu.memory_space<hbm>> -> memref<100000x128xf32, #tpu.memory_space<hbm>>
      tpu.wait_indirect_dma semaphore(%arg30 : memref<!tpu.dma_semaphore, #tpu.memory_space<semaphore_mem>>) src(%dma_wait3A_637 : memref<100000x128xf32, #tpu.memory_space<hbm>>) dst(%dma_wait3A_631 : memref<64x128xf32, #tpu.memory_space<vmem>>)
      %dma_wait3A_638 = arith.constant 1 : i32
      %dma_wait3A_639 = arith.constant 64 : i32
      %dma_wait3A_640 = arith.constant 0 : i32
      %dma_wait3A_641 = tpu.memref_slice %arg18[%dma_wait3A_639, %dma_wait3A_640] : memref<512x128xf32, #tpu.memory_space<vmem>> -> memref<64x128xf32, #tpu.memory_space<vmem>>
      %dma_wait3A_642 = arith.constant 0 : i32
      %dma_wait3A_643 = tpu.memref_slice %arg13[%dma_wait3A_638, %dma_wait3A_642] : memref<208x64xi32, #tpu.memory_space<vmem>> -> memref<1x64xi32, #tpu.memory_space<vmem>>
      %dma_wait3A_644 = tpu.memref_squeeze %dma_wait3A_643 : memref<1x64xi32, #tpu.memory_space<vmem>> -> memref<64xi32, #tpu.memory_space<vmem>>
      %dma_wait3A_645 = arith.constant 0 : i32
      %dma_wait3A_646 = arith.constant 0 : i32
      %dma_wait3A_647 = tpu.memref_slice %arg7[%dma_wait3A_645, %dma_wait3A_646] : memref<100000x128xf32, #tpu.memory_space<hbm>> -> memref<100000x128xf32, #tpu.memory_space<hbm>>
      tpu.wait_indirect_dma semaphore(%arg31 : memref<!tpu.dma_semaphore, #tpu.memory_space<semaphore_mem>>) src(%dma_wait3A_647 : memref<100000x128xf32, #tpu.memory_space<hbm>>) dst(%dma_wait3A_641 : memref<64x128xf32, #tpu.memory_space<vmem>>)
      %dma_wait3A_648 = arith.constant 2 : i32
      %dma_wait3A_649 = arith.constant 128 : i32
      %dma_wait3A_650 = arith.constant 0 : i32
      %dma_wait3A_651 = tpu.memref_slice %arg18[%dma_wait3A_649, %dma_wait3A_650] : memref<512x128xf32, #tpu.memory_space<vmem>> -> memref<64x128xf32, #tpu.memory_space<vmem>>
      %dma_wait3A_652 = arith.constant 0 : i32
      %dma_wait3A_653 = tpu.memref_slice %arg13[%dma_wait3A_648, %dma_wait3A_652] : memref<208x64xi32, #tpu.memory_space<vmem>> -> memref<1x64xi32, #tpu.memory_space<vmem>>
      %dma_wait3A_654 = tpu.memref_squeeze %dma_wait3A_653 : memref<1x64xi32, #tpu.memory_space<vmem>> -> memref<64xi32, #tpu.memory_space<vmem>>
      %dma_wait3A_655 = arith.constant 0 : i32
      %dma_wait3A_656 = arith.constant 0 : i32
      %dma_wait3A_657 = tpu.memref_slice %arg7[%dma_wait3A_655, %dma_wait3A_656] : memref<100000x128xf32, #tpu.memory_space<hbm>> -> memref<100000x128xf32, #tpu.memory_space<hbm>>
      tpu.wait_indirect_dma semaphore(%arg32 : memref<!tpu.dma_semaphore, #tpu.memory_space<semaphore_mem>>) src(%dma_wait3A_657 : memref<100000x128xf32, #tpu.memory_space<hbm>>) dst(%dma_wait3A_651 : memref<64x128xf32, #tpu.memory_space<vmem>>)
      %dma_wait3A_658 = arith.constant 3 : i32
      %dma_wait3A_659 = arith.constant 192 : i32
      %dma_wait3A_660 = arith.constant 0 : i32
      %dma_wait3A_661 = tpu.memref_slice %arg18[%dma_wait3A_659, %dma_wait3A_660] : memref<512x128xf32, #tpu.memory_space<vmem>> -> memref<64x128xf32, #tpu.memory_space<vmem>>
      %dma_wait3A_662 = arith.constant 0 : i32
      %dma_wait3A_663 = tpu.memref_slice %arg13[%dma_wait3A_658, %dma_wait3A_662] : memref<208x64xi32, #tpu.memory_space<vmem>> -> memref<1x64xi32, #tpu.memory_space<vmem>>
      %dma_wait3A_664 = tpu.memref_squeeze %dma_wait3A_663 : memref<1x64xi32, #tpu.memory_space<vmem>> -> memref<64xi32, #tpu.memory_space<vmem>>
      %dma_wait3A_665 = arith.constant 0 : i32
      %dma_wait3A_666 = arith.constant 0 : i32
      %dma_wait3A_667 = tpu.memref_slice %arg7[%dma_wait3A_665, %dma_wait3A_666] : memref<100000x128xf32, #tpu.memory_space<hbm>> -> memref<100000x128xf32, #tpu.memory_space<hbm>>
      tpu.wait_indirect_dma semaphore(%arg33 : memref<!tpu.dma_semaphore, #tpu.memory_space<semaphore_mem>>) src(%dma_wait3A_667 : memref<100000x128xf32, #tpu.memory_space<hbm>>) dst(%dma_wait3A_661 : memref<64x128xf32, #tpu.memory_space<vmem>>)
      %dma_wait3A_668 = arith.constant 4 : i32
      %dma_wait3A_669 = arith.constant 256 : i32
      %dma_wait3A_670 = arith.constant 0 : i32
      %dma_wait3A_671 = tpu.memref_slice %arg18[%dma_wait3A_669, %dma_wait3A_670] : memref<512x128xf32, #tpu.memory_space<vmem>> -> memref<64x128xf32, #tpu.memory_space<vmem>>
      %dma_wait3A_672 = arith.constant 0 : i32
      %dma_wait3A_673 = tpu.memref_slice %arg13[%dma_wait3A_668, %dma_wait3A_672] : memref<208x64xi32, #tpu.memory_space<vmem>> -> memref<1x64xi32, #tpu.memory_space<vmem>>
      %dma_wait3A_674 = tpu.memref_squeeze %dma_wait3A_673 : memref<1x64xi32, #tpu.memory_space<vmem>> -> memref<64xi32, #tpu.memory_space<vmem>>
      %dma_wait3A_675 = arith.constant 0 : i32
      %dma_wait3A_676 = arith.constant 0 : i32
      %dma_wait3A_677 = tpu.memref_slice %arg7[%dma_wait3A_675, %dma_wait3A_676] : memref<100000x128xf32, #tpu.memory_space<hbm>> -> memref<100000x128xf32, #tpu.memory_space<hbm>>
      tpu.wait_indirect_dma semaphore(%arg34 : memref<!tpu.dma_semaphore, #tpu.memory_space<semaphore_mem>>) src(%dma_wait3A_677 : memref<100000x128xf32, #tpu.memory_space<hbm>>) dst(%dma_wait3A_671 : memref<64x128xf32, #tpu.memory_space<vmem>>)
      %dma_wait3A_678 = arith.constant 5 : i32
      %dma_wait3A_679 = arith.constant 320 : i32
      %dma_wait3A_680 = arith.constant 0 : i32
      %dma_wait3A_681 = tpu.memref_slice %arg18[%dma_wait3A_679, %dma_wait3A_680] : memref<512x128xf32, #tpu.memory_space<vmem>> -> memref<64x128xf32, #tpu.memory_space<vmem>>
      %dma_wait3A_682 = arith.constant 0 : i32
      %dma_wait3A_683 = tpu.memref_slice %arg13[%dma_wait3A_678, %dma_wait3A_682] : memref<208x64xi32, #tpu.memory_space<vmem>> -> memref<1x64xi32, #tpu.memory_space<vmem>>
      %dma_wait3A_684 = tpu.memref_squeeze %dma_wait3A_683 : memref<1x64xi32, #tpu.memory_space<vmem>> -> memref<64xi32, #tpu.memory_space<vmem>>
      %dma_wait3A_685 = arith.constant 0 : i32
      %dma_wait3A_686 = arith.constant 0 : i32
      %dma_wait3A_687 = tpu.memref_slice %arg7[%dma_wait3A_685, %dma_wait3A_686] : memref<100000x128xf32, #tpu.memory_space<hbm>> -> memref<100000x128xf32, #tpu.memory_space<hbm>>
      tpu.wait_indirect_dma semaphore(%arg35 : memref<!tpu.dma_semaphore, #tpu.memory_space<semaphore_mem>>) src(%dma_wait3A_687 : memref<100000x128xf32, #tpu.memory_space<hbm>>) dst(%dma_wait3A_681 : memref<64x128xf32, #tpu.memory_space<vmem>>)
      %dma_wait3A_688 = arith.constant 6 : i32
      %dma_wait3A_689 = arith.constant 384 : i32
      %dma_wait3A_690 = arith.constant 0 : i32
      %dma_wait3A_691 = tpu.memref_slice %arg18[%dma_wait3A_689, %dma_wait3A_690] : memref<512x128xf32, #tpu.memory_space<vmem>> -> memref<64x128xf32, #tpu.memory_space<vmem>>
      %dma_wait3A_692 = arith.constant 0 : i32
      %dma_wait3A_693 = tpu.memref_slice %arg13[%dma_wait3A_688, %dma_wait3A_692] : memref<208x64xi32, #tpu.memory_space<vmem>> -> memref<1x64xi32, #tpu.memory_space<vmem>>
      %dma_wait3A_694 = tpu.memref_squeeze %dma_wait3A_693 : memref<1x64xi32, #tpu.memory_space<vmem>> -> memref<64xi32, #tpu.memory_space<vmem>>
      %dma_wait3A_695 = arith.constant 0 : i32
      %dma_wait3A_696 = arith.constant 0 : i32
      %dma_wait3A_697 = tpu.memref_slice %arg7[%dma_wait3A_695, %dma_wait3A_696] : memref<100000x128xf32, #tpu.memory_space<hbm>> -> memref<100000x128xf32, #tpu.memory_space<hbm>>
      tpu.wait_indirect_dma semaphore(%arg36 : memref<!tpu.dma_semaphore, #tpu.memory_space<semaphore_mem>>) src(%dma_wait3A_697 : memref<100000x128xf32, #tpu.memory_space<hbm>>) dst(%dma_wait3A_691 : memref<64x128xf32, #tpu.memory_space<vmem>>)
      %dma_wait3A_698 = arith.constant 7 : i32
      %dma_wait3A_699 = arith.constant 448 : i32
      %dma_wait3A_700 = arith.constant 0 : i32
      %dma_wait3A_701 = tpu.memref_slice %arg18[%dma_wait3A_699, %dma_wait3A_700] : memref<512x128xf32, #tpu.memory_space<vmem>> -> memref<64x128xf32, #tpu.memory_space<vmem>>
      %dma_wait3A_702 = arith.constant 0 : i32
      %dma_wait3A_703 = tpu.memref_slice %arg13[%dma_wait3A_698, %dma_wait3A_702] : memref<208x64xi32, #tpu.memory_space<vmem>> -> memref<1x64xi32, #tpu.memory_space<vmem>>
      %dma_wait3A_704 = tpu.memref_squeeze %dma_wait3A_703 : memref<1x64xi32, #tpu.memory_space<vmem>> -> memref<64xi32, #tpu.memory_space<vmem>>
      %dma_wait3A_705 = arith.constant 0 : i32
      %dma_wait3A_706 = arith.constant 0 : i32
      %dma_wait3A_707 = tpu.memref_slice %arg7[%dma_wait3A_705, %dma_wait3A_706] : memref<100000x128xf32, #tpu.memory_space<hbm>> -> memref<100000x128xf32, #tpu.memory_space<hbm>>
      tpu.wait_indirect_dma semaphore(%arg37 : memref<!tpu.dma_semaphore, #tpu.memory_space<semaphore_mem>>) src(%dma_wait3A_707 : memref<100000x128xf32, #tpu.memory_space<hbm>>) dst(%dma_wait3A_701 : memref<64x128xf32, #tpu.memory_space<vmem>>)
      %scan3A_708 = arith.constant 0 : i32
      scf.yield %scan3A_708 : i32
    }
    %scan3A_625 = arith.constant 25 : i32
    "tpu.region"() ({
      %run_scoped3A = tpu.sem_alloc : memref<!tpu.dma_semaphore, #tpu.memory_space<semaphore_mem>>
      %dma_start3A_626 = arith.constant 0 : i32
      %dma_start3A_627 = tpu.memref_slice %arg10[%mul3A_2, %dma_start3A_626] : memref<16384x128xf32, #tpu.memory_space<hbm>> -> memref<512x128xf32, #tpu.memory_space<hbm>>
      %dma_start3A_628 = arith.constant 0 : i32
      %dma_start3A_629 = tpu.memref_slice %arg10[%mul3A_2, %dma_start3A_628] : memref<16384x128xf32, #tpu.memory_space<hbm>> -> memref<512x128xf32, #tpu.memory_space<hbm>>
      tpu.enqueue_dma source(%arg18 : memref<512x128xf32, #tpu.memory_space<vmem>>) target(%dma_start3A_629 : memref<512x128xf32, #tpu.memory_space<hbm>>) target_semaphore(%run_scoped3A : memref<!tpu.dma_semaphore, #tpu.memory_space<semaphore_mem>>)
      %dma_wait3A_630 = arith.constant 0 : i32
      %dma_wait3A_631 = tpu.memref_slice %arg10[%mul3A_2, %dma_wait3A_630] : memref<16384x128xf32, #tpu.memory_space<hbm>> -> memref<512x128xf32, #tpu.memory_space<hbm>>
      %dma_wait3A_632 = arith.constant 0 : i32
      %dma_wait3A_633 = tpu.memref_slice %arg10[%mul3A_2, %dma_wait3A_632] : memref<16384x128xf32, #tpu.memory_space<hbm>> -> memref<512x128xf32, #tpu.memory_space<hbm>>
      tpu.wait_dma2 semaphore(%run_scoped3A : memref<!tpu.dma_semaphore, #tpu.memory_space<semaphore_mem>>) src(%arg18 : memref<512x128xf32, #tpu.memory_space<vmem>>) dst(%dma_wait3A_633 : memref<512x128xf32, #tpu.memory_space<hbm>>)
      tpu.yield
    }) : () -> ()
    return
  }
}

</mosaic_0001>

<sc_bundles>
// kernel: _sc_emb.3.cloned.1.call-start
scs
__scs_entry_jumppad:
0x0: {  	(pc) =	sbr.rel $0x88, $3  }
0x1: {  	(tag) =	ssettag $0x0;
	lr =	simm.s32 $0x1  }
0x2: {  	[smem:$0x3F9B] =	sst lr;
	_ =	strace $0xD0000000  }
0x3: {  	_ = 	snop  }
0x4: {  	_ = 	snop  }
0x5: {  	_ = 	snop  }
0x6: {  	_ = 	snop  }
0x7: {  	_ = 	snop  }
__scs_overlays_trampoline_lowered:
0x8: {  	[smem:$0x3FAA] =	sst s0  }
0x9: {  	[smem:$0x3FAB] =	sst s1  }
0xa: {  	[smem:$0x3FAC] =	sst s2  }
0xb: {  	[smem:$0x3FAD] =	sst s3  }
0xc: {  	[smem:$0x3FAE] =	sst s4  }
0xd: {  	[smem:$0x3FAF] =	sst s5  }
0xe: {  	[smem:$0x3FB0] =	sst s6  }
0xf: {  	[smem:$0x3FB1] =	sst s7  }
0x10: {  	[smem:$0x3FB2] =	sst s8  }
0x11: {  	[smem:$0x3FB3] =	sst s9;
	s0 =	simm.s32 @!p0 $0x0  }
0x12: {  	s1 =	sld [smem:$0x3F99];
	s0 =	simm.s32 @p0 $0x1  }
0x13: {  	[smem:$0x3FB4] =	sst s0;
	s0 =	simm.s32 @!p1 $0x0  }
0x14: {  	s2 =	sld [smem:$0x3F98];
	s0 =	simm.s32 @p1 $0x1  }
0x15: {  	[smem:$0x3FB5] =	sst s0;
	s0 =	simm.s32 @!p2 $0x0  }
0x16: {  	s3 =	sld [smem:$0x3FDB];
	s0 =	simm.s32 @p2 $0x1  }
0x17: {  	s4 =	simm.s32 $0x1BF5;
	[smem:$0x3FB7] =	sst s0  }
0x18: {  	s0 =	sld [smem:$0x3F9A];
	_ =	swait.ge [sflag:s4], $0x0  }
0x19: {  	s7 =	sld [smem:$0x3F9B]  }
0x1a: {  	s8 =	sadd.s32 $0xFFFFE003, lr  }
0x1b: {  	s9 =	sadd.s32 $0xFFFFFEF7, lr;
	s5 =	simm.s32 $0xFFFFFFFF;
	p2 =	slt.u32 s8, $0xFFFFF086  }
0x1c: {  	p1 =	slt.u32 s9, $0xF7A;
	s5 =	simm.s32 @!p2 $0x0  }
0x1d: {  	s5 =	simm.s32 @p1 $0x1;
	p0 =	seq.s32 s7, s2  }
0x1e: {  	s7 =	smul.u32 @!p0 $0xF7A, s2;
	p2 =	seq.s32 @!p0 s5, $0x0  }
0x1f: {  	s9 =	smul.u32 $0xF7A, s1;
	s8 =	simm.s32 @!p0 $0x1BF5;
	p2 =	por !p2, p0  }
0x20: {  	[sflag:s8] =	ssyncset.s32 @!p0 $0xFFFFF086;
	s6 =	sadd.s32 @!p0 s3, s7;
	s7 =	simm.s32 @!p0 $0x108  }
0x21: {  	s3 =	sadd.s32 s3, s9;
	s6 =	sadd.s32 @!p0 $0x88, s6;
	s7 =	simm.s32 @p2 $0x1082  }
0x22: {  	[simem:s7], [sflag:s8] =	dma.local @!p0 [hbm:s6], $0xF7A  }
0x23: {  	s9 =	sor.u32 $0xD0000000, s2;
	s6 =	simm.s32 $0x108;
	_ =	swait.ge @!p0 [sflag:s8], $0x0  }
0x24: {  	s3 =	sadd.s32 $0x88, s3;
	s6 =	simm.s32 @!p1 $0x1082;
	[sflag:s4] =	ssyncset.s32 $0xFFFFF086  }
0x25: {  	[simem:s6], [sflag:s4] =	dma.local [hbm:s3], $0xF7A  }
0x26: {  	[smem:$0x3F9B] =	sst s1;
	(tag) =	ssettag s2;
	_ =	strace s9  }
0x27: {  	s1 =	sld [smem:$0x3FAB]  }
0x28: {  	s2 =	sld [smem:$0x3FAC]  }
0x29: {  	s4 =	sld [smem:$0x3FAE]  }
0x2a: {  	p0 =	seq.s32 s5, $0x0;
	s5 =	sld [smem:$0x3FAF]  }
0x2b: {  	s6 =	sld [smem:$0x3FB0]  }
0x2c: {  	s7 =	sld [smem:$0x3FB1]  }
0x2d: {  	s3 =	simm.s32 $0x108;
	s8 =	sld [smem:$0x3FB2]  }
0x2e: {  	s3 =	simm.s32 @!p0 $0x1082;
	s9 =	sld [smem:$0x3FB3]  }
0x2f: {  	lr =	sadd.s32 s0, s3;
	s0 =	sld [smem:$0x3FAA]  }
0x30: {  	s3 =	sld [smem:$0x3FAD]  }
0x31: {  	[smem:$0x3FB6] =	sst s10  }
0x32: {  	s10 =	sld [smem:$0x3FB4];
	_ =	sdelay $0x3  }
0x33: {  	p0 =	seq.s32 s10, $0x1;
	s10 =	sld [smem:$0x3FB6];
	_ =	sdelay $0x3  }
0x34: {  	[smem:$0x3FB6] =	sst s10  }
0x35: {  	s10 =	sld [smem:$0x3FB5];
	_ =	sdelay $0x3  }
0x36: {  	p1 =	seq.s32 s10, $0x1;
	s10 =	sld [smem:$0x3FB6];
	_ =	sdelay $0x3  }
0x37: {  	[smem:$0x3FB6] =	sst s10  }
0x38: {  	s10 =	sld [smem:$0x3FB7]  }
0x39: {  	_ = 	snop;
	(pc) =	sbr.ind lr, $3  }
0x3a: {  	_ = 	snop  }
0x3b: {  	_ = 	snop  }
0x3c: {  	p2 =	seq.s32 s10, $0x1;
	s10 =	sld [smem:$0x3FB6]  }
0x3d: {  	_ =	shalt  }
0x3e: {  	_ =	shalt  }
0x3f: {  	_ =	shalt  }
0x40: {  	_ =	shalt  }
0x41: {  	_ =	shalt  }
0x42: {  	_ =	shalt  }
0x43: {  	_ =	shalt  }
0x44: {  	_ =	shalt  }
0x45: {  	_ =	shalt  }
0x46: {  	_ =	shalt  }
0x47: {  	_ =	shalt  }
0x48: {  	_ =	shalt  }
0x49: {  	_ =	shalt  }
0x4a: {  	_ =	shalt  }
0x4b: {  	_ =	shalt  }
0x4c: {  	_ =	shalt  }
0x4d: {  	_ =	shalt  }
0x4e: {  	_ =	shalt  }
0x4f: {  	_ =	shalt  }
0x50: {  	_ =	shalt  }
0x51: {  	_ =	shalt  }
0x52: {  	_ =	shalt  }
0x53: {  	_ =	shalt  }
0x54: {  	_ =	shalt  }
0x55: {  	_ =	shalt  }
0x56: {  	_ =	shalt  }
0x57: {  	_ =	shalt  }
0x58: {  	_ =	shalt  }
0x59: {  	_ =	shalt  }
0x5a: {  	_ =	shalt  }
0x5b: {  	_ =	shalt  }
0x5c: {  	_ =	shalt  }
0x5d: {  	_ =	shalt  }
0x5e: {  	_ =	shalt  }
0x5f: {  	_ =	shalt  }
0x60: {  	_ =	shalt  }
0x61: {  	_ =	shalt  }
0x62: {  	_ =	shalt  }
0x63: {  	_ =	shalt  }
0x64: {  	_ =	shalt  }
0x65: {  	_ =	shalt  }
0x66: {  	_ =	shalt  }
0x67: {  	_ =	shalt  }
0x68: {  	_ =	shalt  }
0x69: {  	_ =	shalt  }
0x6a: {  	_ =	shalt  }
0x6b: {  	_ =	shalt  }
0x6c: {  	_ =	shalt  }
0x6d: {  	_ =	shalt  }
0x6e: {  	_ =	shalt  }
0x6f: {  	_ =	shalt  }
0x70: {  	_ =	shalt  }
0x71: {  	_ =	shalt  }
0x72: {  	_ =	shalt  }
0x73: {  	_ =	shalt  }
0x74: {  	_ =	shalt  }
0x75: {  	_ =	shalt  }
0x76: {  	_ =	shalt  }
0x77: {  	_ =	shalt  }
0x78: {  	_ =	shalt  }
0x79: {  	_ =	shalt  }
0x7a: {  	_ =	shalt  }
0x7b: {  	_ =	shalt  }
0x7c: {  	_ =	shalt  }
0x7d: {  	_ =	shalt  }
0x7e: {  	_ =	shalt  }
0x7f: {  	_ =	shalt  }
0x80: {  	_ =	shalt  }
0x81: {  	_ =	shalt  }
0x82: {  	_ =	shalt  }
0x83: {  	_ =	shalt  }
0x84: {  	_ =	shalt  }
0x85: {  	_ =	shalt  }
0x86: {  	_ =	shalt  }
0x87: {  	_ =	shalt  }
.Lfunc_end0:
.L_simem_size_0:
called_computation_lowered:
.L_overlay_start_0:
0x88: {  	s2 =	sld [smem:$0x3FD9]  }
0x89: {  	s3 =	sld [smem:$0x3FFE];
	_ =	sdelay $0x1  }
0x8a: {  	s1 =	srdreg.scid  }
0x8b: {  	s0 =	sand.u32 $0x1, s1  }
0x8c: {  	s14 =	sshll.u32 s0, $0xA;
	s2 =	sadd.s32 s3, s2  }
0x8d: {  	s2 =	sadd.s32 s2, s14  }
0x8e: {  	[smem:$0x3FC2] =	sst s2  }
0x8f: {  	_ = 	snop  }
0x90: {  	s2 =	sld [smem:$0x3FD0]  }
0x91: {  	s15 =	sld [smem:$0x3FC6]  }
0x92: {  	s4 =	sld [smem:$0x3FC5]  }
0x93: {  	s6 =	simm.s32 $0xA;
	s7 =	simm.s32 $0x10;
	s5 =	sld [smem:$0x3FC4]  }
0x94: {  	[smem:s7], [sflag:s6] =	dma.local [hbm:s2], $0x1  }
0x95: {  	_ =	swait.eq [sflag:s6], $0x1  }
0x96: {  	s16 =	sld [smem:$0x10];
	[sflag:s6] =	ssyncset.done $0x0  }
0x97: {  	s17 =	sld [smem:$0x11];
	[sflag:s6] =	ssyncadd.s32 $0xFFFFFFFF  }
0x98: {  	s18 =	sld [smem:$0x12];
	(tm) =	ssettm $0x1  }
0x99: {  	s8 =	sld [smem:$0x3FFB];
	_ =	sdelay $0x3  }
0x9a: {  	_ =	strace s8  }
0x9b: {  	s8 =	sld [smem:$0x3FFC];
	_ =	sdelay $0x3  }
0x9c: {  	_ =	strace s8  }
0x9d: {  	s8 =	sld [smem:$0x3FFD];
	_ =	sdelay $0x3  }
0x9e: {  	_ =	strace s8  }
0x9f: {  	_ =	strace $0x8FFFFFFF  }
0xa0: {  	s19 =	sld [smem:$0x3FDB];
	_ =	sdelay $0x1  }
0xa1: {  	s9 =	simm.s32 $_scs_section_size  }
0xa2: {  	s10 =	simm.s32 $_size__tile_overlayer_lowered;
	s11 =	simm.s32 $_tile_overlayer_lowered  }
0xa3: {  	s22 =	simm.s32 $0x1BFF;
	s21 =	sshll.u32 s11, $0x1;
	s8 =	sadd.s32 s9, s19  }
0xa4: {  	s12 =	simm.s32 $0x0;
	s20 =	sshll.u32 s10, $0x1;
	s10 =	sadd.s32 s21, s8  }
0xa5: {  	[timem:s12], [sflag:s22] =	dma.local [hbm:s10], s20  }
0xa6: {  	_ =	swait.ge [sflag:s22], s20  }
0xa7: {  	s9 =	ssub.s32 $0x0, s20;
	[sflag:s22] =	ssyncset.done $0x0  }
0xa8: {  	[sflag:s22] =	ssyncadd.s32 s9;
	_ =	sdelay $0x1  }
0xa9: {  	s23 =	simm.s32 $0x1B8B  }
0xaa: {  	_ =	swait.ge [sflag:s23], $0x1  }
0xab: {  	[sflag:s23] =	ssyncset.done $0x0  }
0xac: {  	s25 =	simm.s32 $0x1B8E;
	s24 =	sld [smem:$0x3FFE];
	[sflag:s23] =	ssyncadd.s32 $0xFFFFFFFF  }
0xad: {  	s26 =	simm.s32 $execute0_lowered;
	[smem:$0x3FD2] =	sst s25  }
0xae: {  	s10 =	sshll.u32 s26, $0x1;
	_ =	strace $0x80000046;
	[dreg:$0x1] =	wrdreg $0xFFFFFFFF  }
0xaf: {  	s28 =	simm.s32 $_size_execute0_lowered;
	s8 =	sadd.s32 s8, s10;
	[dreg:$0x0] =	wrdreg $0x0  }
0xb0: {  	s10 =	sshll.u32 s28, $0x1;
	[dreg:$0x2] =	wrdreg s8  }
0xb1: {  	[dreg:$0x3] =	wrdreg s10  }
0xb2: {  	[dreg:$0x4] =	wrdreg $0xC0  }
0xb3: {  	_ =	task [dreg:s12], $0x5FFFF  }
0xb4: {  	[dreg:$0x1] =	wrdreg $0xFFFFFFFF  }
0xb5: {  	[dreg:$0x0] =	wrdreg $0x60  }
0xb6: {  	[dreg:$0x2] =	wrdreg s24  }
0xb7: {  	[dreg:$0x3] =	wrdreg s15  }
0xb8: {  	[dreg:$0x4] =	wrdreg s4  }
0xb9: {  	[dreg:$0x5] =	wrdreg s5  }
0xba: {  	[dreg:$0x6] =	wrdreg s16  }
0xbb: {  	[dreg:$0x7] =	wrdreg s17  }
0xbc: {  	[dreg:$0x8] =	wrdreg s18  }
0xbd: {  	[dreg:$0x9] =	wrdreg $0x9  }
0xbe: {  	_ =	task.clear_ibuf [dreg:s12], $0xAFFFF;
	_ =	strace $0x90000046  }
0xbf: {  	s29 =	simm.s32 $0x9;
	_ =	strace $0x80000048  }
0xc0: {  	_ =	swait.ge [sflag:s29], $0x1  }
0xc1: {  	[sflag:s29] =	ssyncadd.s32 $0xFFFFFFFF  }
0xc2: {  	_ =	strace $0x90000048  }
0xc3: {  	_ =	sfence  }
0xc4: {  	s30 =	sld [smem:$0x0];
	_ =	sdelay $0x2  }
0xc5: {  	s31 =	sshll.u32 s1, $0xD;
	s1 =	sshrl.u32 s1, $0x2  }
0xc6: {  	s3 =	sand.u32 $0x4000, s31;
	s1 =	sadd.s32 s1, s30  }
0xc7: {  	s0 =	sor.u32 s3, s0;
	s1 =	sshll.u32 s1, $0x11  }
0xc8: {  	s0 =	sor.u32 s1, s0  }
0xc9: {  	s0 =	sadd.s32 $0x8F2B, s0  }
0xca: {  	[sflag:s0] =	ssyncadd.remote.s32 $0x1  }
0xcb: {  	_ =	sfence.sel $0xFFFF  }
0xcc: {  	[dreg:$0x0] =	wrdreg $0xFFFFFFFF;
	(pc) =	sbr.abs _section_cstart, $3  }
0xcd: {  	[dreg:$0x1] =	wrdreg $0xFFFFFFFF  }
0xce: {  	_ =	task.clear_ibuf [dreg:s12], $0x2FFFF;
	_ =	strace $0x9FFFFFFF  }
0xcf: {  	(tm) =	ssettm $0x7FFFFFFF  }
tec
execute0_lowered:
.L_overlay_start_1:
0x0: {  	(tag) =	ssettag $0x1  }
0x1: {  	s0 =	rddreg [dreg:$0x0]  }
0x2: {  	s3 =	rddreg [dreg:$0x3]  }
0x3: {  	s1 =	rddreg [dreg:$0x4]  }
0x4: {  	s2 =	srdreg.scid;
	s5 =	rddreg [dreg:$0x5]  }
0x5: {  	s4 =	stileid.u32;
	s7 =	rddreg [dreg:$0x6];
	s30 =	simm.s32 $0xF  }
0x6: {  	s31 =	simm.s32 $0x10;
	s28 =	simm.s32 $0x4;
	s29 =	simm.s32 $0x6  }
0x7: {  	s2 =	sand.u32 $0x1, s2;
	s6 =	sshll.u32 s4, $0x1;
	s4 =	simm.s32 $0x0  }
0x8: {  	s6 =	sor.u32 s2, s6;
	[smem:$0x7FF] =	sst s4;
	s2 =	ssub.s32 $0x2, s2  }
0x9: {  	s8 =	sshll.u32 s6, $0x7;
	s9 =	smul.u32 $0xD00, s6;
	s6 =	sshll.u32 s6, $0xD  }
0xa: {  	s19 =	sshrl.u32 s2, $0x1;
	s10 =	sor.u32 $0x400, s6;
	s20 =	sadd.s32 s1, s6  }
0xb: {  	s22 =	sor.u32 $0x800, s6;
	[dreg:$0x8] =	wrdreg s20;
	s21 =	sadd.s32 s1, s10  }
0xc: {  	s11 =	sor.u32 $0xC00, s6;
	s13 =	sadd.s32 s1, s22;
	[dreg:$0x9] =	wrdreg s21  }
0xd: {  	s12 =	sor.u32 $0x1000, s6;
	s23 =	sadd.s32 s1, s11;
	[dreg:$0xa] =	wrdreg s13  }
0xe: {  	s25 =	sor.u32 $0x1400, s6;
	s24 =	sadd.s32 s1, s12;
	[dreg:$0xb] =	wrdreg s23  }
0xf: {  	s14 =	sor.u32 $0x1800, s6;
	s16 =	sadd.s32 s1, s25;
	[dreg:$0xc] =	wrdreg s24  }
0x10: {  	s15 =	sor.u32 $0x1C00, s6;
	s26 =	sadd.s32 s1, s14;
	[dreg:$0xd] =	wrdreg s16  }
0x11: {  	s8 =	sadd.s32 s8, s0;
	s1 =	sadd.s32 s1, s15;
	[dreg:$0xe] =	wrdreg s26  }
0x12: {  	s2 =	ssub.s32 s2, s19;
	s10 =	sadd.s32 s5, s10;
	[dreg:$0xf] =	wrdreg s1  }
0x13: {  	s0 =	sadd.s32 s9, s0;
	s17 =	sadd.s32 s5, s11;
	[dreg:$0x10] =	wrdreg s10  }
0x14: {  	s18 =	sadd.s32 s5, s12;
	s19 =	sadd.s32 s5, s25;
	[dreg:$0x12] =	wrdreg s17  }
0x15: {  	s20 =	sadd.s32 s5, s14;
	s25 =	sadd.s32 $0x1600, s8;
	[dreg:$0x13] =	wrdreg s18  }
0x16: {  	s9 =	simm.s32 $0x17000;
	s11 =	simm.s32 $0x1B000;
	[dreg:$0x14] =	wrdreg s19  }
0x17: {  	s12 =	simm.s32 $0x1D000;
	s16 =	sadd.s32 s5, s22;
	[dreg:$0x15] =	wrdreg s20  }
0x18: {  	s21 =	sadd.s32 s5, s15;
	s22 =	sadd.s32 s5, s6;
	s23 =	sadd.s32 s7, s6  }
0x19: {  	s0 =	sadd.s32 $0x2600, s0;
	s24 =	sadd.s32 $0x600, s8;
	[dreg:$0x11] =	wrdreg s16  }
0x1a: {  	s26 =	smax.u32 s2, $0x1;
	s1 =	simm.s32 $0x40;
	[dreg:$0x16] =	wrdreg s21  }
0x1b: {  	s5 =	simm.s32 $0xF000;
	s6 =	simm.s32 $0x11000;
	[dreg:$0x17] =	wrdreg s22  }
0x1c: {  	s7 =	simm.s32 $0x13000;
	s8 =	simm.s32 $0x15000;
	[dreg:$0x18] =	wrdreg s23  }
0x1d: {  	s10 =	simm.s32 $0x19000;
	_ =	strace $0x80000047;
	[dreg:$0x19] =	wrdreg s0  }
0x1e: {  	s15 =	simm.s32 $0x11;
	s2 =	simm.s32 $0x13;
	[dreg:$0x1a] =	wrdreg s24  }
0x1f: {  	s16 =	simm.s32 $0x0;
	s22 =	simm.s32 $0x5;
	[dreg:$0x1b] =	wrdreg s25  }
0x20: {  	s23 =	simm.s32 $0x7;
	[dreg:$0x1c] =	wrdreg s26;
	s24 =	simm.s32 $0xC  }
0x21: {  	s25 =	simm.s32 $0xD;
	s26 =	simm.s32 $0xE;
	s0 =	simm.s32 $0x12  }
.LBB2_1:
0x22: {  	[dreg:$0x1d] =	wrdreg s16  }
0x23: {  	s14 =	rddreg [dreg:$0x19];
	s16 =	simm.s32 $0x800  }
0x24: {  	[tilespmem:s16], [sflag:$0x1] =	stream.linear.gather [hbm4b:s14+s4], $0x6800, $0x38;
	[tilespmem:$0x1F000] =	vst v63  }
0x25: {  	s17 =	rddreg [dreg:$0x1a]  }
0x26: {  	[tilespmem:s4], [sflag:$0x2] =	stream.linear.gather [hbm4b:s17+s4], $0x400, $0x38;
	[tilespmem:$0x1F000] =	vst v63  }
0x27: {  	s18 =	rddreg [dreg:$0x1b];
	s13 =	simm.s32 $0x400;
	s19 =	simm.s32 $0x2  }
0x28: {  	[tilespmem:s13], [sflag:$0x3] =	stream.linear.gather [hbm4b:s18+s4], $0x400, $0x38;
	[tilespmem:$0x1F000] =	vst v63  }
0x29: {  	_ =	swait.ge [sflag:s19], $0x400  }
0x2a: {  	[sflag:s19] =	ssyncset.done $0x0  }
0x2b: {  	s20 =	simm.s32 $0x3;
	[sflag:s19] =	ssyncadd.s32 $0xFFFFFC00  }
0x2c: {  	_ =	swait.ge [sflag:s20], $0x400  }
0x2d: {  	[sflag:s20] =	ssyncset.done $0x0  }
0x2e: {  	s21 =	simm.s32 $0x1;
	[sflag:s20] =	ssyncadd.s32 $0xFFFFFC00  }
0x2f: {  	_ =	swait.ge [sflag:s21], $0x6800  }
0x30: {  	[sflag:s21] =	ssyncset.done $0x0  }
0x31: {  	[sflag:s21] =	ssyncadd.s32 $0xFFFF9800  }
0x32: {  	[tilespmem:s5], [sflag:$0xC] =	stream.indirect.gather [hbm4b:s3+s1], $0x80, s16, s1, $0xb8;
	[tilespmem:$0x1F000] =	vst v63  }
0x33: {  	s13 =	simm.s32 $0x880  }
0x34: {  	[tilespmem:s6], [sflag:$0xD] =	stream.indirect.gather [hbm4b:s3+s1], $0x80, s13, s1, $0xb8;
	[tilespmem:$0x1F000] =	vst v63  }
0x35: {  	s16 =	simm.s32 $0x900  }
0x36: {  	[tilespmem:s7], [sflag:$0xE] =	stream.indirect.gather [hbm4b:s3+s1], $0x80, s16, s1, $0xb8;
	[tilespmem:$0x1F000] =	vst v63  }
0x37: {  	s17 =	simm.s32 $0x980  }
0x38: {  	[tilespmem:s8], [sflag:$0xF] =	stream.indirect.gather [hbm4b:s3+s1], $0x80, s17, s1, $0xb8;
	[tilespmem:$0x1F000] =	vst v63  }
0x39: {  	s18 =	simm.s32 $0xA00  }
0x3a: {  	[tilespmem:s9], [sflag:$0x10] =	stream.indirect.gather [hbm4b:s3+s1], $0x80, s18, s1, $0xb8;
	[tilespmem:$0x1F000] =	vst v63  }
0x3b: {  	s19 =	simm.s32 $0xA80  }
0x3c: {  	[tilespmem:s10], [sflag:$0x11] =	stream.indirect.gather [hbm4b:s3+s1], $0x80, s19, s1, $0xb8;
	[tilespmem:$0x1F000] =	vst v63  }
0x3d: {  	s20 =	simm.s32 $0xB00  }
0x3e: {  	[tilespmem:s11], [sflag:$0x12] =	stream.indirect.gather [hbm4b:s3+s1], $0x80, s20, s1, $0xb8;
	[tilespmem:$0x1F000] =	vst v63  }
0x3f: {  	s21 =	simm.s32 $0xB80  }
0x40: {  	[tilespmem:s12], [sflag:$0x13] =	stream.indirect.gather [hbm4b:s3+s1], $0x80, s21, s1, $0xb8;
	[tilespmem:$0x1F000] =	vst v63  }
0x41: {  	s14 =	rddreg [dreg:$0x1];
	s19 =	simm.s32 $0x7000  }
0x42: {  	[tilespmem:s19], [sflag:$0x4] =	stream.indirect.gather [hbm4b:s14+s1], $0x80, s4, s1, $0xb8;
	[tilespmem:$0x1F000] =	vst v63  }
0x43: {  	s18 =	simm.s32 $0x9000;
	s4 =	simm.s32 $0x80  }
0x44: {  	[tilespmem:s18], [sflag:$0x5] =	stream.indirect.gather [hbm4b:s14+s1], $0x80, s4, s1, $0xb8;
	[tilespmem:$0x1F000] =	vst v63  }
0x45: {  	s13 =	simm.s32 $0x100;
	s17 =	simm.s32 $0xB000  }
0x46: {  	[tilespmem:s17], [sflag:$0x6] =	stream.indirect.gather [hbm4b:s14+s1], $0x80, s13, s1, $0xb8;
	[tilespmem:$0x1F000] =	vst v63  }
0x47: {  	s20 =	simm.s32 $0x180;
	s21 =	simm.s32 $0xD000  }
0x48: {  	[tilespmem:s21], [sflag:$0x7] =	stream.indirect.gather [hbm4b:s14+s1], $0x80, s20, s1, $0xb8;
	[tilespmem:$0x1F000] =	vst v63  }
0x49: {  	_ =	swait.ge [sflag:s28], $0x2000  }
0x4a: {  	[sflag:s28] =	ssyncset.done $0x0  }
0x4b: {  	s4 =	simm.s32 $0x0;
	s20 =	rddreg [dreg:$0x8];
	[sflag:s28] =	ssyncadd.s32 $0xFFFFE000  }
0x4c: {  	[hbm4b:s20+s4] =	stream.linear.scatter [tilespmem:s19], [sflag:$0x8], $0x2000, $0x38;
	[tilespmem:$0x1F000] =	vst v63  }
0x4d: {  	_ =	swait.ge [sflag:s22], $0x2000  }
0x4e: {  	[sflag:s22] =	ssyncset.done $0x0  }
0x4f: {  	s21 =	rddreg [dreg:$0x9];
	[sflag:s22] =	ssyncadd.s32 $0xFFFFE000  }
0x50: {  	[hbm4b:s21+s4] =	stream.linear.scatter [tilespmem:s18], [sflag:$0x9], $0x2000, $0x38;
	[tilespmem:$0x1F000] =	vst v63  }
0x51: {  	_ =	swait.ge [sflag:s29], $0x2000  }
0x52: {  	[sflag:s29] =	ssyncset.done $0x0  }
0x53: {  	s17 =	simm.s32 $0xB000;
	s19 =	rddreg [dreg:$0xa];
	[sflag:s29] =	ssyncadd.s32 $0xFFFFE000  }
0x54: {  	[hbm4b:s19+s4] =	stream.linear.scatter [tilespmem:s17], [sflag:$0xA], $0x2000, $0x38;
	[tilespmem:$0x1F000] =	vst v63  }
0x55: {  	_ =	swait.ge [sflag:s23], $0x2000  }
0x56: {  	s13 =	simm.s32 $0xD000;
	[sflag:s23] =	ssyncset.done $0x0  }
0x57: {  	s19 =	simm.s32 $0x8;
	s17 =	rddreg [dreg:$0xb];
	[sflag:s23] =	ssyncadd.s32 $0xFFFFE000  }
0x58: {  	[hbm4b:s17+s4] =	stream.linear.scatter [tilespmem:s13], [sflag:$0xB], $0x2000, $0x38;
	[tilespmem:$0x1F000] =	vst v63  }
0x59: {  	_ =	swait.ge [sflag:s19], $0x2000  }
0x5a: {  	[sflag:s19] =	ssyncset.done $0x0  }
0x5b: {  	s20 =	simm.s32 $0x7000;
	s18 =	simm.s32 $0x200;
	[sflag:s19] =	ssyncadd.s32 $0xFFFFE000  }
0x5c: {  	[tilespmem:s20], [sflag:$0x4] =	stream.indirect.gather [hbm4b:s14+s1], $0x80, s18, s1, $0xb8;
	[tilespmem:$0x1F000] =	vst v63  }
0x5d: {  	s18 =	simm.s32 $0x9  }
0x5e: {  	_ =	swait.ge [sflag:s18], $0x2000  }
0x5f: {  	s21 =	simm.s32 $0x9000;
	[sflag:s18] =	ssyncset.done $0x0  }
0x60: {  	s17 =	simm.s32 $0xA;
	s20 =	simm.s32 $0x280;
	[sflag:s18] =	ssyncadd.s32 $0xFFFFE000  }
0x61: {  	[tilespmem:s21], [sflag:$0x5] =	stream.indirect.gather [hbm4b:s14+s1], $0x80, s20, s1, $0xb8;
	[tilespmem:$0x1F000] =	vst v63  }
0x62: {  	_ =	swait.ge [sflag:s17], $0x2000  }
0x63: {  	[sflag:s17] =	ssyncset.done $0x0  }
0x64: {  	s13 =	simm.s32 $0x300;
	s20 =	simm.s32 $0xB000;
	[sflag:s17] =	ssyncadd.s32 $0xFFFFE000  }
0x65: {  	[tilespmem:s20], [sflag:$0x6] =	stream.indirect.gather [hbm4b:s14+s1], $0x80, s13, s1, $0xb8;
	[tilespmem:$0x1F000] =	vst v63  }
0x66: {  	s13 =	simm.s32 $0xB  }
0x67: {  	_ =	swait.ge [sflag:s13], $0x2000  }
0x68: {  	[sflag:s13] =	ssyncset.done $0x0  }
0x69: {  	s16 =	simm.s32 $0x380;
	s20 =	simm.s32 $0xD000;
	[sflag:s13] =	ssyncadd.s32 $0xFFFFE000  }
0x6a: {  	[tilespmem:s20], [sflag:$0x7] =	stream.indirect.gather [hbm4b:s14+s1], $0x80, s16, s1, $0xb8;
	[tilespmem:$0x1F000] =	vst v63  }
0x6b: {  	_ =	swait.ge [sflag:s28], $0x2000  }
0x6c: {  	[sflag:s28] =	ssyncset.done $0x0  }
0x6d: {  	s20 =	simm.s32 $0x7000;
	s16 =	rddreg [dreg:$0xc];
	[sflag:s28] =	ssyncadd.s32 $0xFFFFE000  }
0x6e: {  	[hbm4b:s16+s4] =	stream.linear.scatter [tilespmem:s20], [sflag:$0x8], $0x2000, $0x38;
	[tilespmem:$0x1F000] =	vst v63  }
0x6f: {  	_ =	swait.ge [sflag:s22], $0x2000  }
0x70: {  	[sflag:s22] =	ssyncset.done $0x0  }
0x71: {  	s21 =	simm.s32 $0x9000;
	s16 =	rddreg [dreg:$0xd];
	[sflag:s22] =	ssyncadd.s32 $0xFFFFE000  }
0x72: {  	[hbm4b:s16+s4] =	stream.linear.scatter [tilespmem:s21], [sflag:$0x9], $0x2000, $0x38;
	[tilespmem:$0x1F000] =	vst v63  }
0x73: {  	_ =	swait.ge [sflag:s29], $0x2000  }
0x74: {  	[sflag:s29] =	ssyncset.done $0x0  }
0x75: {  	s16 =	simm.s32 $0xB000;
	s14 =	rddreg [dreg:$0xe];
	[sflag:s29] =	ssyncadd.s32 $0xFFFFE000  }
0x76: {  	[hbm4b:s14+s4] =	stream.linear.scatter [tilespmem:s16], [sflag:$0xA], $0x2000, $0x38;
	[tilespmem:$0x1F000] =	vst v63  }
0x77: {  	_ =	swait.ge [sflag:s23], $0x2000  }
0x78: {  	[sflag:s23] =	ssyncset.done $0x0  }
0x79: {  	s16 =	simm.s32 $0xD000;
	s14 =	rddreg [dreg:$0xf];
	[sflag:s23] =	ssyncadd.s32 $0xFFFFE000  }
0x7a: {  	[hbm4b:s14+s4] =	stream.linear.scatter [tilespmem:s16], [sflag:$0xB], $0x2000, $0x38;
	[tilespmem:$0x1F000] =	vst v63  }
0x7b: {  	_ =	swait.ge [sflag:s19], $0x2000  }
0x7c: {  	[sflag:s19] =	ssyncset.done $0x0  }
0x7d: {  	[sflag:s19] =	ssyncadd.s32 $0xFFFFE000  }
0x7e: {  	s20 =	simm.s32 $0x7000;
	s16 =	simm.s32 $0x400;
	s14 =	rddreg [dreg:$0x2]  }
0x7f: {  	[tilespmem:s20], [sflag:$0x4] =	stream.indirect.gather [hbm4b:s14+s1], $0x80, s16, s1, $0xb8;
	[tilespmem:$0x1F000] =	vst v63  }
0x80: {  	_ =	swait.ge [sflag:s18], $0x2000  }
0x81: {  	[sflag:s18] =	ssyncset.done $0x0  }
0x82: {  	s21 =	simm.s32 $0x9000;
	s16 =	simm.s32 $0x480;
	[sflag:s18] =	ssyncadd.s32 $0xFFFFE000  }
0x83: {  	[tilespmem:s21], [sflag:$0x5] =	stream.indirect.gather [hbm4b:s14+s1], $0x80, s16, s1, $0xb8;
	[tilespmem:$0x1F000] =	vst v63  }
0x84: {  	_ =	swait.ge [sflag:s17], $0x2000  }
0x85: {  	[sflag:s17] =	ssyncset.done $0x0  }
0x86: {  	s16 =	simm.s32 $0x500;
	s21 =	simm.s32 $0xB000;
	[sflag:s17] =	ssyncadd.s32 $0xFFFFE000  }
0x87: {  	[tilespmem:s21], [sflag:$0x6] =	stream.indirect.gather [hbm4b:s14+s1], $0x80, s16, s1, $0xb8;
	[tilespmem:$0x1F000] =	vst v63  }
0x88: {  	_ =	swait.ge [sflag:s13], $0x2000  }
0x89: {  	[sflag:s13] =	ssyncset.done $0x0  }
0x8a: {  	s16 =	simm.s32 $0x580;
	s21 =	simm.s32 $0xD000;
	[sflag:s13] =	ssyncadd.s32 $0xFFFFE000  }
0x8b: {  	[tilespmem:s21], [sflag:$0x7] =	stream.indirect.gather [hbm4b:s14+s1], $0x80, s16, s1, $0xb8;
	[tilespmem:$0x1F000] =	vst v63  }
0x8c: {  	_ =	swait.ge [sflag:s28], $0x2000  }
0x8d: {  	[sflag:s28] =	ssyncset.done $0x0  }
0x8e: {  	s21 =	rddreg [dreg:$0x17];
	[sflag:s28] =	ssyncadd.s32 $0xFFFFE000  }
0x8f: {  	[hbm4b:s21+s4] =	stream.linear.scatter [tilespmem:s20], [sflag:$0x8], $0x2000, $0x38;
	[tilespmem:$0x1F000] =	vst v63  }
0x90: {  	_ =	swait.ge [sflag:s22], $0x2000  }
0x91: {  	[sflag:s22] =	ssyncset.done $0x0  }
0x92: {  	s21 =	simm.s32 $0x9000;
	s20 =	rddreg [dreg:$0x10];
	[sflag:s22] =	ssyncadd.s32 $0xFFFFE000  }
0x93: {  	[hbm4b:s20+s4] =	stream.linear.scatter [tilespmem:s21], [sflag:$0x9], $0x2000, $0x38;
	[tilespmem:$0x1F000] =	vst v63  }
0x94: {  	_ =	swait.ge [sflag:s29], $0x2000  }
0x95: {  	[sflag:s29] =	ssyncset.done $0x0  }
0x96: {  	s21 =	simm.s32 $0xB000;
	s16 =	rddreg [dreg:$0x11];
	[sflag:s29] =	ssyncadd.s32 $0xFFFFE000  }
0x97: {  	[hbm4b:s16+s4] =	stream.linear.scatter [tilespmem:s21], [sflag:$0xA], $0x2000, $0x38;
	[tilespmem:$0x1F000] =	vst v63  }
0x98: {  	_ =	swait.ge [sflag:s23], $0x2000  }
0x99: {  	[sflag:s23] =	ssyncset.done $0x0  }
0x9a: {  	s21 =	simm.s32 $0xD000;
	s16 =	rddreg [dreg:$0x12];
	[sflag:s23] =	ssyncadd.s32 $0xFFFFE000  }
0x9b: {  	[hbm4b:s16+s4] =	stream.linear.scatter [tilespmem:s21], [sflag:$0xB], $0x2000, $0x38;
	[tilespmem:$0x1F000] =	vst v63  }
0x9c: {  	_ =	swait.ge [sflag:s19], $0x2000  }
0x9d: {  	[sflag:s19] =	ssyncset.done $0x0  }
0x9e: {  	s16 =	simm.s32 $0x600;
	s21 =	simm.s32 $0x7000;
	[sflag:s19] =	ssyncadd.s32 $0xFFFFE000  }
0x9f: {  	[tilespmem:s21], [sflag:$0x4] =	stream.indirect.gather [hbm4b:s14+s1], $0x80, s16, s1, $0xb8;
	[tilespmem:$0x1F000] =	vst v63  }
0xa0: {  	_ =	swait.ge [sflag:s18], $0x2000  }
0xa1: {  	[sflag:s18] =	ssyncset.done $0x0  }
0xa2: {  	s20 =	simm.s32 $0x9000;
	s21 =	simm.s32 $0x680;
	[sflag:s18] =	ssyncadd.s32 $0xFFFFE000  }
0xa3: {  	[tilespmem:s20], [sflag:$0x5] =	stream.indirect.gather [hbm4b:s14+s1], $0x80, s21, s1, $0xb8;
	[tilespmem:$0x1F000] =	vst v63  }
0xa4: {  	_ =	swait.ge [sflag:s17], $0x2000  }
0xa5: {  	[sflag:s17] =	ssyncset.done $0x0  }
0xa6: {  	s21 =	simm.s32 $0x700;
	s20 =	simm.s32 $0xB000;
	[sflag:s17] =	ssyncadd.s32 $0xFFFFE000  }
0xa7: {  	[tilespmem:s20], [sflag:$0x6] =	stream.indirect.gather [hbm4b:s14+s1], $0x80, s21, s1, $0xb8;
	[tilespmem:$0x1F000] =	vst v63  }
0xa8: {  	_ =	swait.ge [sflag:s13], $0x2000  }
0xa9: {  	[sflag:s13] =	ssyncset.done $0x0  }
0xaa: {  	s16 =	simm.s32 $0x780;
	s20 =	simm.s32 $0xD000;
	[sflag:s13] =	ssyncadd.s32 $0xFFFFE000  }
0xab: {  	[tilespmem:s20], [sflag:$0x7] =	stream.indirect.gather [hbm4b:s14+s1], $0x80, s16, s1, $0xb8;
	[tilespmem:$0x1F000] =	vst v63  }
0xac: {  	_ =	swait.ge [sflag:s28], $0x2000  }
0xad: {  	[sflag:s28] =	ssyncset.done $0x0  }
0xae: {  	s16 =	simm.s32 $0x7000;
	s14 =	rddreg [dreg:$0x13];
	[sflag:s28] =	ssyncadd.s32 $0xFFFFE000  }
0xaf: {  	[hbm4b:s14+s4] =	stream.linear.scatter [tilespmem:s16], [sflag:$0x8], $0x2000, $0x38;
	[tilespmem:$0x1F000] =	vst v63  }
0xb0: {  	_ =	swait.ge [sflag:s22], $0x2000  }
0xb1: {  	[sflag:s22] =	ssyncset.done $0x0  }
0xb2: {  	s16 =	simm.s32 $0x9000;
	s14 =	rddreg [dreg:$0x14];
	[sflag:s22] =	ssyncadd.s32 $0xFFFFE000  }
0xb3: {  	[hbm4b:s14+s4] =	stream.linear.scatter [tilespmem:s16], [sflag:$0x9], $0x2000, $0x38;
	[tilespmem:$0x1F000] =	vst v63  }
0xb4: {  	_ =	swait.ge [sflag:s29], $0x2000  }
0xb5: {  	[sflag:s29] =	ssyncset.done $0x0  }
0xb6: {  	s21 =	simm.s32 $0xB000;
	s16 =	rddreg [dreg:$0x15];
	[sflag:s29] =	ssyncadd.s32 $0xFFFFE000  }
0xb7: {  	[hbm4b:s16+s4] =	stream.linear.scatter [tilespmem:s21], [sflag:$0xA], $0x2000, $0x38;
	[tilespmem:$0x1F000] =	vst v63  }
0xb8: {  	_ =	swait.ge [sflag:s23], $0x2000  }
0xb9: {  	[sflag:s23] =	ssyncset.done $0x0  }
0xba: {  	s4 =	simm.s32 $0x0;
	s21 =	rddreg [dreg:$0x16];
	[sflag:s23] =	ssyncadd.s32 $0xFFFFE000  }
0xbb: {  	[hbm4b:s21+s4] =	stream.linear.scatter [tilespmem:s20], [sflag:$0xB], $0x2000, $0x38;
	[tilespmem:$0x1F000] =	vst v63  }
0xbc: {  	_ =	swait.ge [sflag:s19], $0x2000  }
0xbd: {  	[sflag:s19] =	ssyncset.done $0x0  }
0xbe: {  	[sflag:s19] =	ssyncadd.s32 $0xFFFFE000  }
0xbf: {  	_ =	swait.ge [sflag:s18], $0x2000  }
0xc0: {  	[sflag:s18] =	ssyncset.done $0x0  }
0xc1: {  	[sflag:s18] =	ssyncadd.s32 $0xFFFFE000  }
0xc2: {  	_ =	swait.ge [sflag:s17], $0x2000  }
0xc3: {  	[sflag:s17] =	ssyncset.done $0x0  }
0xc4: {  	[sflag:s17] =	ssyncadd.s32 $0xFFFFE000  }
0xc5: {  	_ =	swait.ge [sflag:s13], $0x2000  }
0xc6: {  	[sflag:s13] =	ssyncset.done $0x0  }
0xc7: {  	[sflag:s13] =	ssyncadd.s32 $0xFFFFE000  }
0xc8: {  	_ =	swait.ge [sflag:s24], $0x2000  }
0xc9: {  	[sflag:s24] =	ssyncset.done $0x0  }
0xca: {  	[sflag:s24] =	ssyncadd.s32 $0xFFFFE000  }
0xcb: {  	_ =	swait.ge [sflag:s25], $0x2000  }
0xcc: {  	[sflag:s25] =	ssyncset.done $0x0  }
0xcd: {  	[sflag:s25] =	ssyncadd.s32 $0xFFFFE000  }
0xce: {  	_ =	swait.ge [sflag:s26], $0x2000  }
0xcf: {  	[sflag:s26] =	ssyncset.done $0x0  }
0xd0: {  	[sflag:s26] =	ssyncadd.s32 $0xFFFFE000  }
0xd1: {  	_ =	swait.ge [sflag:s30], $0x2000  }
0xd2: {  	[sflag:s30] =	ssyncset.done $0x0  }
0xd3: {  	[sflag:s30] =	ssyncadd.s32 $0xFFFFE000  }
0xd4: {  	_ =	swait.ge [sflag:s31], $0x2000  }
0xd5: {  	[sflag:s31] =	ssyncset.done $0x0  }
0xd6: {  	[sflag:s31] =	ssyncadd.s32 $0xFFFFE000  }
0xd7: {  	_ =	swait.ge [sflag:s15], $0x2000  }
0xd8: {  	[sflag:s15] =	ssyncset.done $0x0  }
0xd9: {  	[sflag:s15] =	ssyncadd.s32 $0xFFFFE000  }
0xda: {  	_ =	swait.ge [sflag:s0], $0x2000  }
0xdb: {  	[sflag:s0] =	ssyncset.done $0x0  }
0xdc: {  	[sflag:s0] =	ssyncadd.s32 $0xFFFFE000  }
0xdd: {  	_ =	swait.ge [sflag:s2], $0x2000  }
0xde: {  	[sflag:s2] =	ssyncset.done $0x0  }
0xdf: {  	s13 =	simm.s32 $0xC00;
	[sflag:s2] =	ssyncadd.s32 $0xFFFFE000  }
0xe0: {  	[tilespmem:s5], [sflag:$0xC] =	stream.indirect.gather.add.f32 [hbm:s3], $0x80, s13, s1, $0xb8;
	[tilespmem:$0x1F000] =	vst v63  }
0xe1: {  	s16 =	simm.s32 $0xC80  }
0xe2: {  	[tilespmem:s6], [sflag:$0xD] =	stream.indirect.gather.add.f32 [hbm:s3], $0x80, s16, s1, $0xb8;
	[tilespmem:$0x1F000] =	vst v63  }
0xe3: {  	s17 =	simm.s32 $0xD00  }
0xe4: {  	[tilespmem:s7], [sflag:$0xE] =	stream.indirect.gather.add.f32 [hbm:s3], $0x80, s17, s1, $0xb8;
	[tilespmem:$0x1F000] =	vst v63  }
0xe5: {  	s18 =	simm.s32 $0xD80  }
0xe6: {  	[tilespmem:s8], [sflag:$0xF] =	stream.indirect.gather.add.f32 [hbm:s3], $0x80, s18, s1, $0xb8;
	[tilespmem:$0x1F000] =	vst v63  }
0xe7: {  	s19 =	simm.s32 $0xE00  }
0xe8: {  	[tilespmem:s9], [sflag:$0x10] =	stream.indirect.gather.add.f32 [hbm:s3], $0x80, s19, s1, $0xb8;
	[tilespmem:$0x1F000] =	vst v63  }
0xe9: {  	s14 =	simm.s32 $0x400;
	s20 =	simm.s32 $0xE80  }
0xea: {  	[tilespmem:s10], [sflag:$0x11] =	stream.indirect.gather.add.f32 [hbm:s3], $0x80, s20, s1, $0xb8;
	[tilespmem:$0x1F000] =	vst v63  }
0xeb: {  	s21 =	simm.s32 $0xF00;
	s16 =	simm.s32 $0x2000;
	s17 =	simm.s32 $0xF80  }
0xec: {  	[tilespmem:s11], [sflag:$0x12] =	stream.indirect.gather.add.f32 [hbm:s3], $0x80, s21, s1, $0xb8;
	[tilespmem:$0x1F000] =	vst v63  }
.LBB2_2:
0xed: {  	[tilespmem:s12], [sflag:$0x13] =	stream.indirect.gather.add.f32 [hbm:s3], $0x80, s17, s1, $0xb8;
	[tilespmem:$0x1F000] =	vst v63  }
0xee: {  	s17 =	smov.u32 s16  }
0xef: {  	s19 =	sadd.s32 $0x1000, s16;
	s18 =	sshra.s32 s17, $0x2;
	s17 =	sadd.s32 $0xC00, s14  }
0xf0: {  	[tilespmem:s5], [sflag:$0xC] =	stream.indirect.gather.add.f32 [hbm:s3], $0x80, s17, s1, $0xb8;
	[tilespmem:$0x1F000] =	vst v63  }
0xf1: {  	p0 =	sne.s32 s16, $0x18000;
	s16 =	sadd.s32 $0xC80, s14  }
0xf2: {  	[tilespmem:s6], [sflag:$0xD] =	stream.indirect.gather.add.f32 [hbm:s3], $0x80, s16, s1, $0xb8;
	[tilespmem:$0x1F000] =	vst v63  }
0xf3: {  	s16 =	sadd.s32 $0xD00, s14  }
0xf4: {  	[tilespmem:s7], [sflag:$0xE] =	stream.indirect.gather.add.f32 [hbm:s3], $0x80, s16, s1, $0xb8;
	[tilespmem:$0x1F000] =	vst v63  }
0xf5: {  	s16 =	sadd.s32 $0xD80, s14  }
0xf6: {  	[tilespmem:s8], [sflag:$0xF] =	stream.indirect.gather.add.f32 [hbm:s3], $0x80, s16, s1, $0xb8;
	[tilespmem:$0x1F000] =	vst v63  }
0xf7: {  	s16 =	sadd.s32 $0xE00, s14  }
0xf8: {  	[tilespmem:s9], [sflag:$0x10] =	stream.indirect.gather.add.f32 [hbm:s3], $0x80, s16, s1, $0xb8;
	[tilespmem:$0x1F000] =	vst v63  }
.Ltmp0:
0xf9: {  	s16 =	sadd.s32 $0xE80, s14;
	(pc) =	sbr.rel @p0 .LBB2_2-.Ltmp0, $4  }
0xfa: {  	[tilespmem:s10], [sflag:$0x11] =	stream.indirect.gather.add.f32 [hbm:s3], $0x80, s16, s1, $0xb8;
	[tilespmem:$0x1F000] =	vst v63  }
0xfb: {  	s16 =	sadd.s32 $0xF00, s14  }
0xfc: {  	[tilespmem:s11], [sflag:$0x12] =	stream.indirect.gather.add.f32 [hbm:s3], $0x80, s16, s1, $0xb8;
	[tilespmem:$0x1F000] =	vst v63  }
0xfd: {  	s17 =	sadd.s32 $0xF80, s14;
	s14 =	smov.u32 s18;
	s16 =	smov.u32 s19  }
0xfe: {  	[tilespmem:s12], [sflag:$0x13] =	stream.indirect.gather.add.f32 [hbm:s3], $0x80, s17, s1, $0xb8;
	[tilespmem:$0x1F000] =	vst v63  }
0xff: {  	s16 =	sadd.s32 $0xC00, s14  }
0x100: {  	[tilespmem:s5], [sflag:$0xC] =	stream.indirect.gather.add.f32 [hbm:s3], $0x80, s16, s1, $0xb8;
	[tilespmem:$0x1F000] =	vst v63  }
0x101: {  	s21 =	sadd.s32 $0xC80, s14  }
0x102: {  	[tilespmem:s6], [sflag:$0xD] =	stream.indirect.gather.add.f32 [hbm:s3], $0x80, s21, s1, $0xb8;
	[tilespmem:$0x1F000] =	vst v63  }
0x103: {  	s13 =	sadd.s32 $0xD00, s14  }
0x104: {  	[tilespmem:s7], [sflag:$0xE] =	stream.indirect.gather.add.f32 [hbm:s3], $0x80, s13, s1, $0xb8;
	[tilespmem:$0x1F000] =	vst v63  }
0x105: {  	s17 =	sadd.s32 $0xD80, s14  }
0x106: {  	[tilespmem:s8], [sflag:$0xF] =	stream.indirect.gather.add.f32 [hbm:s3], $0x80, s17, s1, $0xb8;
	[tilespmem:$0x1F000] =	vst v63  }
0x107: {  	s18 =	sadd.s32 $0xE00, s14  }
0x108: {  	[tilespmem:s9], [sflag:$0x10] =	stream.indirect.gather.add.f32 [hbm:s3], $0x80, s18, s1, $0xb8;
	[tilespmem:$0x1F000] =	vst v63  }
0x109: {  	s19 =	sadd.s32 $0xE80, s14  }
0x10a: {  	[tilespmem:s10], [sflag:$0x11] =	stream.indirect.gather.add.f32 [hbm:s3], $0x80, s19, s1, $0xb8;
	[tilespmem:$0x1F000] =	vst v63  }
0x10b: {  	s20 =	sadd.s32 $0xF00, s14  }
0x10c: {  	[tilespmem:s11], [sflag:$0x12] =	stream.indirect.gather.add.f32 [hbm:s3], $0x80, s20, s1, $0xb8;
	[tilespmem:$0x1F000] =	vst v63  }
0x10d: {  	s21 =	sadd.s32 $0xF80, s14  }
0x10e: {  	[tilespmem:s12], [sflag:$0x13] =	stream.indirect.gather.add.f32 [hbm:s3], $0x80, s21, s1, $0xb8;
	[tilespmem:$0x1F000] =	vst v63  }
0x10f: {  	_ =	swait.ge [sflag:s24], $0x2000  }
0x110: {  	[sflag:s24] =	ssyncset.done $0x0  }
0x111: {  	[sflag:s24] =	ssyncadd.s32 $0xFFFFE000  }
0x112: {  	_ =	swait.ge [sflag:s25], $0x2000  }
0x113: {  	[sflag:s25] =	ssyncset.done $0x0  }
0x114: {  	[sflag:s25] =	ssyncadd.s32 $0xFFFFE000  }
0x115: {  	_ =	swait.ge [sflag:s26], $0x2000  }
0x116: {  	[sflag:s26] =	ssyncset.done $0x0  }
0x117: {  	[sflag:s26] =	ssyncadd.s32 $0xFFFFE000  }
0x118: {  	_ =	swait.ge [sflag:s30], $0x2000  }
0x119: {  	[sflag:s30] =	ssyncset.done $0x0  }
0x11a: {  	[sflag:s30] =	ssyncadd.s32 $0xFFFFE000  }
0x11b: {  	_ =	swait.ge [sflag:s31], $0x2000  }
0x11c: {  	[sflag:s31] =	ssyncset.done $0x0  }
0x11d: {  	[sflag:s31] =	ssyncadd.s32 $0xFFFFE000  }
0x11e: {  	_ =	swait.ge [sflag:s15], $0x2000  }
0x11f: {  	[sflag:s15] =	ssyncset.done $0x0  }
0x120: {  	[sflag:s15] =	ssyncadd.s32 $0xFFFFE000  }
0x121: {  	_ =	swait.ge [sflag:s0], $0x2000  }
0x122: {  	[sflag:s0] =	ssyncset.done $0x0  }
0x123: {  	[sflag:s0] =	ssyncadd.s32 $0xFFFFE000  }
0x124: {  	_ =	swait.ge [sflag:s2], $0x2000  }
0x125: {  	s14 =	simm.s32 $0x18;
	[sflag:s2] =	ssyncset.done $0x0  }
.LBB2_4:
0x126: {  	p0 =	sne.s32 s14, $0x1;
	s14 =	sadd.s32 $0xFFFFFFFF, s14;
	[sflag:s2] =	ssyncadd.s32 $0xFFFFE000  }
0x127: {  	_ =	swait.ge [sflag:s24], $0x2000  }
0x128: {  	[sflag:s24] =	ssyncset.done $0x0  }
0x129: {  	[sflag:s24] =	ssyncadd.s32 $0xFFFFE000  }
0x12a: {  	_ =	swait.ge [sflag:s25], $0x2000  }
0x12b: {  	[sflag:s25] =	ssyncset.done $0x0  }
0x12c: {  	[sflag:s25] =	ssyncadd.s32 $0xFFFFE000  }
0x12d: {  	_ =	swait.ge [sflag:s26], $0x2000  }
0x12e: {  	[sflag:s26] =	ssyncset.done $0x0  }
0x12f: {  	[sflag:s26] =	ssyncadd.s32 $0xFFFFE000  }
0x130: {  	_ =	swait.ge [sflag:s30], $0x2000  }
0x131: {  	[sflag:s30] =	ssyncset.done $0x0  }
0x132: {  	[sflag:s30] =	ssyncadd.s32 $0xFFFFE000  }
0x133: {  	_ =	swait.ge [sflag:s31], $0x2000  }
0x134: {  	[sflag:s31] =	ssyncset.done $0x0  }
0x135: {  	[sflag:s31] =	ssyncadd.s32 $0xFFFFE000  }
0x136: {  	_ =	swait.ge [sflag:s15], $0x2000  }
0x137: {  	[sflag:s15] =	ssyncset.done $0x0  }
0x138: {  	[sflag:s15] =	ssyncadd.s32 $0xFFFFE000  }
.Ltmp1:
0x139: {  	_ =	swait.ge [sflag:s0], $0x2000;
	(pc) =	sbr.rel @p0 .LBB2_4-.Ltmp1, $4  }
0x13a: {  	[sflag:s0] =	ssyncset.done $0x0  }
0x13b: {  	[sflag:s0] =	ssyncadd.s32 $0xFFFFE000  }
0x13c: {  	_ =	swait.ge [sflag:s2], $0x2000  }
0x13d: {  	[sflag:s2] =	ssyncset.done $0x0  }
0x13e: {  	[sflag:s2] =	ssyncadd.s32 $0xFFFFE000;
	s14 =	rddreg [dreg:$0x18];
	s13 =	simm.s32 $0x14  }
0x13f: {  	[hbm4b:s14+s4] =	stream.linear.scatter [tilespmem:s5], [sflag:$0x14], $0x10000, $0x38;
	[tilespmem:$0x1F000] =	vst v63  }
0x140: {  	_ =	swait.ge [sflag:s13], $0x10000  }
0x141: {  	s16 =	rddreg [dreg:$0x1d]  }
0x142: {  	s21 =	rddreg [dreg:$0x1c];
	s16 =	sadd.s32 $0x1, s16  }
0x143: {  	p0 =	sne.s32 s16, s21  }
.Ltmp2:
0x144: {  	_ = 	snop;
	(pc) =	sbr.rel @p0 .LBB2_1-.Ltmp2, $3  }
0x145: {  	_ =	sdelay $0x1  }
0x146: {  	[sflag:s13] =	ssyncset.done $0x0  }
0x147: {  	[sflag:s13] =	ssyncadd.s32 $0xFFFF0000  }
0x148: {  	_ =	sfence.sel $0x180000  }
0x149: {  	[bflag:$0x0] =	sbarrier.arrive $0xFFFF  }
0x14a: {  	_ =	strace $0x90000047  }
0x14b: {  	s0 =	stileid.u32;
	[bflag:$0x2] =	sbarrier.arrive $0xFFFF  }
0x14c: {  	p0 =	sne.s32 s0, $0x0;
	s0 =	rddreg [dreg:$0x7]  }
0x14d: {  	s0 =	sadd.s32 @!p0 $0x100000, s0  }
0x14e: {  	[sflag:s0] =	ssyncadd.tile.s32 @!p0 $0x1;
	_ =	shalt  }
.Lfunc_end2:
_tile_overlayer_lowered:
.L_overlay_start_2:
0x14f: {  	(tag) =	ssettag $0x2  }
0x150: {  	s0 =	rddreg [dreg:$0x0];
	s2 =	stileid.u32  }
0x151: {  	s1 =	rddreg [dreg:$0x1];
	p0 =	sne.s32 s2, $0x0  }
0x152: {  	s3 =	rddreg [dreg:$0x2];
	[bflag:$0x3] =	sbarrier.arrive $0xFFFF;
	s2 =	simm.s32 @!p0 $0x1C14  }
0x153: {  	[timem:s3], [sflag:s2] =	dma.local @!p0 [hbm:s0], s1  }
0x154: {  	s0 =	simm.s32 @!p0 $0x14  }
0x155: {  	_ =	swait.ge @!p0 [sflag:s0], s1  }
0x156: {  	s1 =	ssub.s32 @!p0 $0x0, s1;
	[sflag:s0] =	ssyncset.done @!p0 $0x0  }
0x157: {  	[sflag:s0] =	ssyncadd.s32 @!p0 s1  }
0x158: {  	[bflag:$0x3] =	sbarrier.arrive $0xFFFF  }
0x159: {  	_ =	shalt  }

</sc_bundles>
